<compile_context>
chip_gen: v7x
topology: tpu7x:2x2x1
jax: 0.10.2.dev20260603
libtpu: 0.0.44.dev20260713+nightly
codegen_flags: <defaults>
</compile_context>

<pallas_src>
import jax
import jax.numpy as jnp
from jax import lax
from jax.experimental import pallas as pl
from jax.experimental.pallas import tpu as pltpu
from jax.experimental.pallas import tpu_sc as plsc

CAP = 16384
B = 4096
ROW = 3 * 32 * 32

NC, NS, L = 2, 16, 16
NW = NC * NS
RPW = CAP // NW
JPW = B // NW
K = 16

_WCHUNK = 512


def _winner_body(idx_col_ref, idx_row_ref, w_ref):
    col = idx_col_ref[...]
    row = idx_row_ref[...]
    match = col == row
    j = lax.broadcasted_iota(jnp.int32, (_WCHUNK, B), 1)
    w_ref[...] = jnp.max(jnp.where(match, j, -1), axis=1, keepdims=True)


def _compute_winners(idx):
    return pl.pallas_call(
        _winner_body,
        grid=(B // _WCHUNK,),
        in_specs=[
            pl.BlockSpec((_WCHUNK, 1), lambda c: (c, 0)),
            pl.BlockSpec((1, B), lambda c: (0, 0)),
        ],
        out_specs=pl.BlockSpec((_WCHUNK, 1), lambda c: (c, 0)),
        out_shape=jax.ShapeDtypeStruct((B, 1), jnp.int32),
    )(idx.reshape(B, 1), idx.reshape(1, B)).reshape(B)


def _sc_body(val_hbm, idx_hbm, w_hbm, valy_hbm, idx3_hbm, x_hbm, y_hbm,
             idx_v, w_v, valy_v, myy_v, tgt_v,
             buf0, buf1, semg0, semg1, sems0, sems1):
    wid = lax.axis_index("s") * NC + lax.axis_index("c")
    base = pl.multiple_of(wid * RPW, RPW)
    jbase = pl.multiple_of(wid * JPW, JPW)

    bufs = (buf0, buf1)
    semgs = (semg0, semg1)
    semss = (sems0, sems1)

    pltpu.async_copy(idx_hbm, idx_v, semg0)
    pltpu.async_copy(w_hbm, w_v, semg1)
    pltpu.async_copy(valy_hbm, valy_v, sems0)
    pltpu.async_copy(y_hbm.at[pl.ds(base, RPW)], myy_v, sems0)
    pltpu.async_copy(idx3_hbm.at[wid], tgt_v, sems1)
    pltpu.make_async_copy(idx_hbm, idx_v, semg0).wait()
    pltpu.make_async_copy(w_hbm, w_v, semg1).wait()
    pltpu.make_async_copy(valy_hbm, valy_v, sems0).wait()
    pltpu.make_async_copy(y_hbm.at[pl.ds(base, RPW)], myy_v, sems0).wait()
    pltpu.make_async_copy(idx3_hbm.at[wid], tgt_v, sems1).wait()

    nsc = JPW // K
    vws = [w_v[pl.ds(pl.multiple_of(jbase + c * K, K), K)] for c in range(nsc)]
    pltpu.async_copy(val_hbm.at[vws[0]], buf0, semg0)
    for c in range(nsc):
        p = c % 2
        if c >= 1:
            pltpu.make_async_copy(bufs[1 - p], x_hbm.at[tgt_v.at[c - 1]],
                                  semss[1 - p]).wait()
        if c + 1 < nsc:
            pltpu.async_copy(val_hbm.at[vws[c + 1]], bufs[1 - p],
                             semgs[1 - p])
        pltpu.make_async_copy(val_hbm.at[vws[c]], bufs[p], semgs[p]).wait()
        pltpu.async_copy(bufs[p], x_hbm.at[tgt_v.at[c]], semss[p])

    def _scan_body(c, carry):
        off = pl.multiple_of(c * L, L)
        vi = idx_v[pl.ds(off, L)]
        vw = w_v[pl.ds(off, L)]
        data = plsc.load_gather(valy_v, [vw])
        rel = vi - base
        inrange = (rel >= 0) & (rel < RPW)
        relc = jnp.clip(rel, 0, RPW - 1)
        plsc.store_scatter(myy_v, [relc], data, mask=inrange)
        return carry

    lax.fori_loop(0, B // L, _scan_body, jnp.int32(0))
    pltpu.sync_copy(myy_v, y_hbm.at[pl.ds(base, RPW)])

    pltpu.make_async_copy(bufs[(nsc - 1) % 2], x_hbm.at[tgt_v.at[nsc - 1]],
                          semss[(nsc - 1) % 2]).wait()


def _sc_scatter(x_ref, y_ref, val2, idx, w, val_y, idx3):
    mesh = plsc.VectorSubcoreMesh(core_axis_name="c", subcore_axis_name="s")
    f = pl.kernel(
        _sc_body,
        out_type=(),
        mesh=mesh,
        compiler_params=pltpu.CompilerParams(needs_layout_passes=False),
        scratch_types=[
            pltpu.VMEM((B,), jnp.int32),
            pltpu.VMEM((B,), jnp.int32),
            pltpu.VMEM((B,), jnp.int32),
            pltpu.VMEM((RPW,), jnp.int32),
            pltpu.VMEM((JPW // K, K), jnp.int32),
            pltpu.VMEM((K, ROW), jnp.float32),
            pltpu.VMEM((K, ROW), jnp.float32),
            pltpu.SemaphoreType.DMA,
            pltpu.SemaphoreType.DMA,
            pltpu.SemaphoreType.DMA,
            pltpu.SemaphoreType.DMA,
        ],
    )
    f(val2, idx, w, val_y, idx3, x_ref, y_ref)


def kernel(mem_x, mem_y, idx, val_x, val_y):
    w = _compute_winners(idx)
    mem2 = mem_x.reshape(CAP, ROW)
    val2 = val_x.reshape(B, ROW)
    idx3 = idx.reshape(NW, JPW // K, K)
    x_ref = jax.new_ref(mem2)
    y_ref = jax.new_ref(mem_y)
    _sc_scatter(x_ref, y_ref, val2, idx, w, val_y, idx3)
    return (x_ref[...].reshape(CAP, 3, 32, 32), y_ref[...])

# --- scband reference (transcript-rebuilt; emitter-appended) ---
"""Pipeline reference for scband-buffer-64252710748554 (READ-ONLY COPY).

The authoritative reference and input builder live on the scoring server;
editing this copy changes nothing except your own understanding.
"""

import jax, jax.numpy as jnp
import numpy as np

CAP = 16384
B = 4096

def setup_inputs(seed: int = 0) -> dict:
    key = jax.random.key(seed)
    k1, k2, k3, k4, k5 = jax.random.split(key, 5)
    mem_x = jax.random.normal(k1, (CAP, 3, 32, 32), dtype=jnp.float32)
    mem_y = jax.random.randint(k2, (CAP,), 0, 10, dtype=jnp.int32)
    idx = jax.random.randint(k3, (B,), 0, CAP, dtype=jnp.int32)
    val_x = jax.random.normal(k4, (B, 3, 32, 32), dtype=jnp.float32)
    val_y = jax.random.randint(k5, (B,), 0, 10, dtype=jnp.int32)
    return {"mem_x": mem_x, "mem_y": mem_y, "idx": idx, "val_x": val_x, "val_y": val_y}

def reference(mem_x, mem_y, idx, val_x, val_y):
    # Faithful to Buffer.add_reservoir core: scatter-overwrite of incoming batch
    # into the buffer rows selected by reservoir indices:
    #   buffer[idx_buffer] = data[idx_new_data]
    new_mem_x = mem_x.at[idx].set(val_x)
    new_mem_y = mem_y.at[idx].set(val_y)
    return (new_mem_x, new_mem_y)

if __name__ == "__main__":
    import jax
    _d = setup_inputs()
    print(jax.jit(kernel)(*tuple(_d.values())))

</pallas_src>

<mosaic_0001>
#map = affine_map<(d0, d1) -> (0, 0)>
#map1 = affine_map<(d0, d1) -> (0)>
#map2 = affine_map<(d0, d1) -> (0, 0, 0)>
module attributes {stable_mosaic.version = 14 : i64} {
  func.func @new_body(%arg0: i32, %arg1: i32, %arg2: memref<4096x3072xf32, #tpu.memory_space<hbm>>, %arg3: memref<4096xi32, #tpu.memory_space<hbm>>, %arg4: memref<4096xi32, #tpu.memory_space<hbm>>, %arg5: memref<4096xi32, #tpu.memory_space<hbm>>, %arg6: memref<32x8x16xi32, #tpu.memory_space<hbm>>, %arg7: memref<16384x3072xf32, #tpu.memory_space<hbm>>, %arg8: memref<16384xi32, #tpu.memory_space<hbm>>, %arg9: memref<16384x3072xf32, #tpu.memory_space<hbm>>, %arg10: memref<16384xi32, #tpu.memory_space<hbm>>, %arg11: memref<4096xi32, #tpu.memory_space<vmem>>, %arg12: memref<4096xi32, #tpu.memory_space<vmem>>, %arg13: memref<4096xi32, #tpu.memory_space<vmem>>, %arg14: memref<512xi32, #tpu.memory_space<vmem>>, %arg15: memref<8x16xi32, #tpu.memory_space<vmem>>, %arg16: memref<16x3072xf32, #tpu.memory_space<vmem>>, %arg17: memref<16x3072xf32, #tpu.memory_space<vmem>>, %arg18: memref<!tpu.dma_semaphore, #tpu.memory_space<semaphore_mem>>, %arg19: memref<!tpu.dma_semaphore, #tpu.memory_space<semaphore_mem>>, %arg20: memref<!tpu.dma_semaphore, #tpu.memory_space<semaphore_mem>>, %arg21: memref<!tpu.dma_semaphore, #tpu.memory_space<semaphore_mem>>) attributes {dimension_semantics = [#tpu.dimension_semantics<core_parallel>, #tpu.dimension_semantics<subcore_parallel>], iteration_bounds = array<i64: 2, 16>, scalar_prefetch = 0 : i64, scratch_operands = 11 : i64, tpu.core_type = #tpu.core_type<sc_vector_subcore>, window_params = [{transform_indices = #map}, {transform_indices = #map1}, {transform_indices = #map1}, {transform_indices = #map1}, {transform_indices = #map2}, {transform_indices = #map}, {transform_indices = #map1}, {transform_indices = #map}, {transform_indices = #map1}]} {
    %mul3A = arith.constant 2 : i32
    %mul3A_0 = arith.muli %arg1, %mul3A : i32
    %add3A = arith.addi %mul3A_0, %arg0 : i32
    %mul3A_1 = arith.constant 512 : i32
    %mul3A_2 = arith.muli %add3A, %mul3A_1 : i32
    %multiple_of3A = tpu.assume_multiple %mul3A_2, 512 : i32
    %mul3A_3 = arith.constant 128 : i32
    %mul3A_4 = arith.muli %add3A, %mul3A_3 : i32
    %multiple_of3A_5 = tpu.assume_multiple %mul3A_4, 128 : i32
    tpu.enqueue_dma source(%arg3 : memref<4096xi32, #tpu.memory_space<hbm>>) target(%arg11 : memref<4096xi32, #tpu.memory_space<vmem>>) target_semaphore(%arg18 : memref<!tpu.dma_semaphore, #tpu.memory_space<semaphore_mem>>)
    tpu.enqueue_dma source(%arg4 : memref<4096xi32, #tpu.memory_space<hbm>>) target(%arg12 : memref<4096xi32, #tpu.memory_space<vmem>>) target_semaphore(%arg19 : memref<!tpu.dma_semaphore, #tpu.memory_space<semaphore_mem>>)
    tpu.enqueue_dma source(%arg5 : memref<4096xi32, #tpu.memory_space<hbm>>) target(%arg13 : memref<4096xi32, #tpu.memory_space<vmem>>) target_semaphore(%arg20 : memref<!tpu.dma_semaphore, #tpu.memory_space<semaphore_mem>>)
    %dma_start3A = tpu.memref_slice %arg8[%multiple_of3A] : memref<16384xi32, #tpu.memory_space<hbm>> -> memref<512xi32, #tpu.memory_space<hbm>>
    %dma_start3A_6 = tpu.memref_slice %arg8[%multiple_of3A] : memref<16384xi32, #tpu.memory_space<hbm>> -> memref<512xi32, #tpu.memory_space<hbm>>
    tpu.enqueue_dma source(%dma_start3A_6 : memref<512xi32, #tpu.memory_space<hbm>>) target(%arg14 : memref<512xi32, #tpu.memory_space<vmem>>) target_semaphore(%arg20 : memref<!tpu.dma_semaphore, #tpu.memory_space<semaphore_mem>>)
    %dma_start3A_7 = arith.constant 0 : i32
    %dma_start3A_8 = arith.constant 0 : i32
    %dma_start3A_9 = tpu.memref_slice %arg6[%add3A, %dma_start3A_7, %dma_start3A_8] : memref<32x8x16xi32, #tpu.memory_space<hbm>> -> memref<1x8x16xi32, #tpu.memory_space<hbm>>
    %dma_start3A_10 = tpu.memref_squeeze %dma_start3A_9 : memref<1x8x16xi32, #tpu.memory_space<hbm>> -> memref<8x16xi32, #tpu.memory_space<hbm>>
    %dma_start3A_11 = arith.constant 0 : i32
    %dma_start3A_12 = arith.constant 0 : i32
    %dma_start3A_13 = tpu.memref_slice %arg6[%add3A, %dma_start3A_11, %dma_start3A_12] : memref<32x8x16xi32, #tpu.memory_space<hbm>> -> memref<1x8x16xi32, #tpu.memory_space<hbm>>
    %dma_start3A_14 = tpu.memref_squeeze %dma_start3A_13 : memref<1x8x16xi32, #tpu.memory_space<hbm>> -> memref<8x16xi32, #tpu.memory_space<hbm>>
    tpu.enqueue_dma source(%dma_start3A_14 : memref<8x16xi32, #tpu.memory_space<hbm>>) target(%arg15 : memref<8x16xi32, #tpu.memory_space<vmem>>) target_semaphore(%arg21 : memref<!tpu.dma_semaphore, #tpu.memory_space<semaphore_mem>>)
    tpu.wait_dma2 semaphore(%arg18 : memref<!tpu.dma_semaphore, #tpu.memory_space<semaphore_mem>>) src(%arg3 : memref<4096xi32, #tpu.memory_space<hbm>>) dst(%arg11 : memref<4096xi32, #tpu.memory_space<vmem>>)
    tpu.wait_dma2 semaphore(%arg19 : memref<!tpu.dma_semaphore, #tpu.memory_space<semaphore_mem>>) src(%arg4 : memref<4096xi32, #tpu.memory_space<hbm>>) dst(%arg12 : memref<4096xi32, #tpu.memory_space<vmem>>)
    tpu.wait_dma2 semaphore(%arg20 : memref<!tpu.dma_semaphore, #tpu.memory_space<semaphore_mem>>) src(%arg5 : memref<4096xi32, #tpu.memory_space<hbm>>) dst(%arg13 : memref<4096xi32, #tpu.memory_space<vmem>>)
    %dma_wait3A = tpu.memref_slice %arg8[%multiple_of3A] : memref<16384xi32, #tpu.memory_space<hbm>> -> memref<512xi32, #tpu.memory_space<hbm>>
    %dma_wait3A_15 = tpu.memref_slice %arg8[%multiple_of3A] : memref<16384xi32, #tpu.memory_space<hbm>> -> memref<512xi32, #tpu.memory_space<hbm>>
    tpu.wait_dma2 semaphore(%arg20 : memref<!tpu.dma_semaphore, #tpu.memory_space<semaphore_mem>>) src(%dma_wait3A_15 : memref<512xi32, #tpu.memory_space<hbm>>) dst(%arg14 : memref<512xi32, #tpu.memory_space<vmem>>)
    %dma_wait3A_16 = arith.constant 0 : i32
    %dma_wait3A_17 = arith.constant 0 : i32
    %dma_wait3A_18 = tpu.memref_slice %arg6[%add3A, %dma_wait3A_16, %dma_wait3A_17] : memref<32x8x16xi32, #tpu.memory_space<hbm>> -> memref<1x8x16xi32, #tpu.memory_space<hbm>>
    %dma_wait3A_19 = tpu.memref_squeeze %dma_wait3A_18 : memref<1x8x16xi32, #tpu.memory_space<hbm>> -> memref<8x16xi32, #tpu.memory_space<hbm>>
    %dma_wait3A_20 = arith.constant 0 : i32
    %dma_wait3A_21 = arith.constant 0 : i32
    %dma_wait3A_22 = tpu.memref_slice %arg6[%add3A, %dma_wait3A_20, %dma_wait3A_21] : memref<32x8x16xi32, #tpu.memory_space<hbm>> -> memref<1x8x16xi32, #tpu.memory_space<hbm>>
    %dma_wait3A_23 = tpu.memref_squeeze %dma_wait3A_22 : memref<1x8x16xi32, #tpu.memory_space<hbm>> -> memref<8x16xi32, #tpu.memory_space<hbm>>
    tpu.wait_dma2 semaphore(%arg21 : memref<!tpu.dma_semaphore, #tpu.memory_space<semaphore_mem>>) src(%dma_wait3A_23 : memref<8x16xi32, #tpu.memory_space<hbm>>) dst(%arg15 : memref<8x16xi32, #tpu.memory_space<vmem>>)
    %add3A_24 = arith.constant 0 : i32
    %add3A_25 = arith.addi %multiple_of3A_5, %add3A_24 : i32
    %multiple_of3A_26 = tpu.assume_multiple %add3A_25, 16 : i32
    %get3A = arith.index_cast %multiple_of3A_26 : i32 to index
    %get3A_27 = tpu.vector_load %arg12[%get3A] {strides = array<i32>} : memref<4096xi32, #tpu.memory_space<vmem>>, vector<16xi32>,
    %add3A_28 = arith.constant 16 : i32
    %add3A_29 = arith.addi %multiple_of3A_5, %add3A_28 : i32
    %multiple_of3A_30 = tpu.assume_multiple %add3A_29, 16 : i32
    %get3A_31 = arith.index_cast %multiple_of3A_30 : i32 to index
    %get3A_32 = tpu.vector_load %arg12[%get3A_31] {strides = array<i32>} : memref<4096xi32, #tpu.memory_space<vmem>>, vector<16xi32>,
    %add3A_33 = arith.constant 32 : i32
    %add3A_34 = arith.addi %multiple_of3A_5, %add3A_33 : i32
    %multiple_of3A_35 = tpu.assume_multiple %add3A_34, 16 : i32
    %get3A_36 = arith.index_cast %multiple_of3A_35 : i32 to index
    %get3A_37 = tpu.vector_load %arg12[%get3A_36] {strides = array<i32>} : memref<4096xi32, #tpu.memory_space<vmem>>, vector<16xi32>,
    %add3A_38 = arith.constant 48 : i32
    %add3A_39 = arith.addi %multiple_of3A_5, %add3A_38 : i32
    %multiple_of3A_40 = tpu.assume_multiple %add3A_39, 16 : i32
    %get3A_41 = arith.index_cast %multiple_of3A_40 : i32 to index
    %get3A_42 = tpu.vector_load %arg12[%get3A_41] {strides = array<i32>} : memref<4096xi32, #tpu.memory_space<vmem>>, vector<16xi32>,
    %add3A_43 = arith.constant 64 : i32
    %add3A_44 = arith.addi %multiple_of3A_5, %add3A_43 : i32
    %multiple_of3A_45 = tpu.assume_multiple %add3A_44, 16 : i32
    %get3A_46 = arith.index_cast %multiple_of3A_45 : i32 to index
    %get3A_47 = tpu.vector_load %arg12[%get3A_46] {strides = array<i32>} : memref<4096xi32, #tpu.memory_space<vmem>>, vector<16xi32>,
    %add3A_48 = arith.constant 80 : i32
    %add3A_49 = arith.addi %multiple_of3A_5, %add3A_48 : i32
    %multiple_of3A_50 = tpu.assume_multiple %add3A_49, 16 : i32
    %get3A_51 = arith.index_cast %multiple_of3A_50 : i32 to index
    %get3A_52 = tpu.vector_load %arg12[%get3A_51] {strides = array<i32>} : memref<4096xi32, #tpu.memory_space<vmem>>, vector<16xi32>,
    %add3A_53 = arith.constant 96 : i32
    %add3A_54 = arith.addi %multiple_of3A_5, %add3A_53 : i32
    %multiple_of3A_55 = tpu.assume_multiple %add3A_54, 16 : i32
    %get3A_56 = arith.index_cast %multiple_of3A_55 : i32 to index
    %get3A_57 = tpu.vector_load %arg12[%get3A_56] {strides = array<i32>} : memref<4096xi32, #tpu.memory_space<vmem>>, vector<16xi32>,
    %add3A_58 = arith.constant 112 : i32
    %add3A_59 = arith.addi %multiple_of3A_5, %add3A_58 : i32
    %multiple_of3A_60 = tpu.assume_multiple %add3A_59, 16 : i32
    %get3A_61 = arith.index_cast %multiple_of3A_60 : i32 to index
    %get3A_62 = tpu.vector_load %arg12[%get3A_61] {strides = array<i32>} : memref<4096xi32, #tpu.memory_space<vmem>>, vector<16xi32>,
    %dma_start3A_63 = arith.constant 0 : i32
    %dma_start3A_64 = arith.constant 0 : i32
    %dma_start3A_65 = tpu.memref_slice %arg2[%dma_start3A_63, %dma_start3A_64] : memref<4096x3072xf32, #tpu.memory_space<hbm>> -> memref<4096x3072xf32, #tpu.memory_space<hbm>>
    tpu.enqueue_indirect_dma source(%dma_start3A_65 : memref<4096x3072xf32, #tpu.memory_space<hbm>>) target(%arg16 : memref<16x3072xf32, #tpu.memory_space<vmem>>) offsets(%get3A_27 : vector<16xi32>) semaphore(%arg18 : memref<!tpu.dma_semaphore, #tpu.memory_space<semaphore_mem>>)
    %dma_start3A_66 = arith.constant 0 : i32
    %dma_start3A_67 = arith.constant 0 : i32
    %dma_start3A_68 = tpu.memref_slice %arg2[%dma_start3A_66, %dma_start3A_67] : memref<4096x3072xf32, #tpu.memory_space<hbm>> -> memref<4096x3072xf32, #tpu.memory_space<hbm>>
    tpu.enqueue_indirect_dma source(%dma_start3A_68 : memref<4096x3072xf32, #tpu.memory_space<hbm>>) target(%arg17 : memref<16x3072xf32, #tpu.memory_space<vmem>>) offsets(%get3A_32 : vector<16xi32>) semaphore(%arg19 : memref<!tpu.dma_semaphore, #tpu.memory_space<semaphore_mem>>)
    %dma_wait3A_69 = arith.constant 0 : i32
    %dma_wait3A_70 = arith.constant 0 : i32
    %dma_wait3A_71 = tpu.memref_slice %arg2[%dma_wait3A_69, %dma_wait3A_70] : memref<4096x3072xf32, #tpu.memory_space<hbm>> -> memref<4096x3072xf32, #tpu.memory_space<hbm>>
    tpu.wait_indirect_dma semaphore(%arg18 : memref<!tpu.dma_semaphore, #tpu.memory_space<semaphore_mem>>) src(%dma_wait3A_71 : memref<4096x3072xf32, #tpu.memory_space<hbm>>) dst(%arg16 : memref<16x3072xf32, #tpu.memory_space<vmem>>)
    %dma_start3A_72 = arith.constant 0 : i32
    %dma_start3A_73 = arith.constant 0 : i32
    %dma_start3A_74 = tpu.memref_slice %arg15[%dma_start3A_72, %dma_start3A_73] : memref<8x16xi32, #tpu.memory_space<vmem>> -> memref<1x16xi32, #tpu.memory_space<vmem>>
    %dma_start3A_75 = tpu.memref_squeeze %dma_start3A_74 : memref<1x16xi32, #tpu.memory_space<vmem>> -> memref<16xi32, #tpu.memory_space<vmem>>
    %dma_start3A_76 = arith.constant 0 : i32
    %dma_start3A_77 = arith.constant 0 : i32
    %dma_start3A_78 = tpu.memref_slice %arg7[%dma_start3A_76, %dma_start3A_77] : memref<16384x3072xf32, #tpu.memory_space<hbm>> -> memref<16384x3072xf32, #tpu.memory_space<hbm>>
    tpu.enqueue_indirect_dma source(%arg16 : memref<16x3072xf32, #tpu.memory_space<vmem>>) target(%dma_start3A_78 : memref<16384x3072xf32, #tpu.memory_space<hbm>>) offsets(%dma_start3A_75 : memref<16xi32, #tpu.memory_space<vmem>>) semaphore(%arg20 : memref<!tpu.dma_semaphore, #tpu.memory_space<semaphore_mem>>)
    %dma_wait3A_79 = arith.constant 0 : i32
    %dma_wait3A_80 = arith.constant 0 : i32
    %dma_wait3A_81 = tpu.memref_slice %arg15[%dma_wait3A_79, %dma_wait3A_80] : memref<8x16xi32, #tpu.memory_space<vmem>> -> memref<1x16xi32, #tpu.memory_space<vmem>>
    %dma_wait3A_82 = tpu.memref_squeeze %dma_wait3A_81 : memref<1x16xi32, #tpu.memory_space<vmem>> -> memref<16xi32, #tpu.memory_space<vmem>>
    %dma_wait3A_83 = arith.constant 0 : i32
    %dma_wait3A_84 = arith.constant 0 : i32
    %dma_wait3A_85 = tpu.memref_slice %arg7[%dma_wait3A_83, %dma_wait3A_84] : memref<16384x3072xf32, #tpu.memory_space<hbm>> -> memref<16384x3072xf32, #tpu.memory_space<hbm>>
    tpu.wait_indirect_dma semaphore(%arg20 : memref<!tpu.dma_semaphore, #tpu.memory_space<semaphore_mem>>) src(%arg16 : memref<16x3072xf32, #tpu.memory_space<vmem>>) dst(%dma_wait3A_85 : memref<16384x3072xf32, #tpu.memory_space<hbm>>)
    %dma_start3A_86 = arith.constant 0 : i32
    %dma_start3A_87 = arith.constant 0 : i32
    %dma_start3A_88 = tpu.memref_slice %arg2[%dma_start3A_86, %dma_start3A_87] : memref<4096x3072xf32, #tpu.memory_space<hbm>> -> memref<4096x3072xf32, #tpu.memory_space<hbm>>
    tpu.enqueue_indirect_dma source(%dma_start3A_88 : memref<4096x3072xf32, #tpu.memory_space<hbm>>) target(%arg16 : memref<16x3072xf32, #tpu.memory_space<vmem>>) offsets(%get3A_37 : vector<16xi32>) semaphore(%arg18 : memref<!tpu.dma_semaphore, #tpu.memory_space<semaphore_mem>>)
    %dma_wait3A_89 = arith.constant 0 : i32
    %dma_wait3A_90 = arith.constant 0 : i32
    %dma_wait3A_91 = tpu.memref_slice %arg2[%dma_wait3A_89, %dma_wait3A_90] : memref<4096x3072xf32, #tpu.memory_space<hbm>> -> memref<4096x3072xf32, #tpu.memory_space<hbm>>
    tpu.wait_indirect_dma semaphore(%arg19 : memref<!tpu.dma_semaphore, #tpu.memory_space<semaphore_mem>>) src(%dma_wait3A_91 : memref<4096x3072xf32, #tpu.memory_space<hbm>>) dst(%arg17 : memref<16x3072xf32, #tpu.memory_space<vmem>>)
    %dma_start3A_92 = arith.constant 1 : i32
    %dma_start3A_93 = arith.constant 0 : i32
    %dma_start3A_94 = tpu.memref_slice %arg15[%dma_start3A_92, %dma_start3A_93] : memref<8x16xi32, #tpu.memory_space<vmem>> -> memref<1x16xi32, #tpu.memory_space<vmem>>
    %dma_start3A_95 = tpu.memref_squeeze %dma_start3A_94 : memref<1x16xi32, #tpu.memory_space<vmem>> -> memref<16xi32, #tpu.memory_space<vmem>>
    %dma_start3A_96 = arith.constant 0 : i32
    %dma_start3A_97 = arith.constant 0 : i32
    %dma_start3A_98 = tpu.memref_slice %arg7[%dma_start3A_96, %dma_start3A_97] : memref<16384x3072xf32, #tpu.memory_space<hbm>> -> memref<16384x3072xf32, #tpu.memory_space<hbm>>
    tpu.enqueue_indirect_dma source(%arg17 : memref<16x3072xf32, #tpu.memory_space<vmem>>) target(%dma_start3A_98 : memref<16384x3072xf32, #tpu.memory_space<hbm>>) offsets(%dma_start3A_95 : memref<16xi32, #tpu.memory_space<vmem>>) semaphore(%arg21 : memref<!tpu.dma_semaphore, #tpu.memory_space<semaphore_mem>>)
    %dma_wait3A_99 = arith.constant 1 : i32
    %dma_wait3A_100 = arith.constant 0 : i32
    %dma_wait3A_101 = tpu.memref_slice %arg15[%dma_wait3A_99, %dma_wait3A_100] : memref<8x16xi32, #tpu.memory_space<vmem>> -> memref<1x16xi32, #tpu.memory_space<vmem>>
    %dma_wait3A_102 = tpu.memref_squeeze %dma_wait3A_101 : memref<1x16xi32, #tpu.memory_space<vmem>> -> memref<16xi32, #tpu.memory_space<vmem>>
    %dma_wait3A_103 = arith.constant 0 : i32
    %dma_wait3A_104 = arith.constant 0 : i32
    %dma_wait3A_105 = tpu.memref_slice %arg7[%dma_wait3A_103, %dma_wait3A_104] : memref<16384x3072xf32, #tpu.memory_space<hbm>> -> memref<16384x3072xf32, #tpu.memory_space<hbm>>
    tpu.wait_indirect_dma semaphore(%arg21 : memref<!tpu.dma_semaphore, #tpu.memory_space<semaphore_mem>>) src(%arg17 : memref<16x3072xf32, #tpu.memory_space<vmem>>) dst(%dma_wait3A_105 : memref<16384x3072xf32, #tpu.memory_space<hbm>>)
    %dma_start3A_106 = arith.constant 0 : i32
    %dma_start3A_107 = arith.constant 0 : i32
    %dma_start3A_108 = tpu.memref_slice %arg2[%dma_start3A_106, %dma_start3A_107] : memref<4096x3072xf32, #tpu.memory_space<hbm>> -> memref<4096x3072xf32, #tpu.memory_space<hbm>>
    tpu.enqueue_indirect_dma source(%dma_start3A_108 : memref<4096x3072xf32, #tpu.memory_space<hbm>>) target(%arg17 : memref<16x3072xf32, #tpu.memory_space<vmem>>) offsets(%get3A_42 : vector<16xi32>) semaphore(%arg19 : memref<!tpu.dma_semaphore, #tpu.memory_space<semaphore_mem>>)
    %dma_wait3A_109 = arith.constant 0 : i32
    %dma_wait3A_110 = arith.constant 0 : i32
    %dma_wait3A_111 = tpu.memref_slice %arg2[%dma_wait3A_109, %dma_wait3A_110] : memref<4096x3072xf32, #tpu.memory_space<hbm>> -> memref<4096x3072xf32, #tpu.memory_space<hbm>>
    tpu.wait_indirect_dma semaphore(%arg18 : memref<!tpu.dma_semaphore, #tpu.memory_space<semaphore_mem>>) src(%dma_wait3A_111 : memref<4096x3072xf32, #tpu.memory_space<hbm>>) dst(%arg16 : memref<16x3072xf32, #tpu.memory_space<vmem>>)
    %dma_start3A_112 = arith.constant 2 : i32
    %dma_start3A_113 = arith.constant 0 : i32
    %dma_start3A_114 = tpu.memref_slice %arg15[%dma_start3A_112, %dma_start3A_113] : memref<8x16xi32, #tpu.memory_space<vmem>> -> memref<1x16xi32, #tpu.memory_space<vmem>>
    %dma_start3A_115 = tpu.memref_squeeze %dma_start3A_114 : memref<1x16xi32, #tpu.memory_space<vmem>> -> memref<16xi32, #tpu.memory_space<vmem>>
    %dma_start3A_116 = arith.constant 0 : i32
    %dma_start3A_117 = arith.constant 0 : i32
    %dma_start3A_118 = tpu.memref_slice %arg7[%dma_start3A_116, %dma_start3A_117] : memref<16384x3072xf32, #tpu.memory_space<hbm>> -> memref<16384x3072xf32, #tpu.memory_space<hbm>>
    tpu.enqueue_indirect_dma source(%arg16 : memref<16x3072xf32, #tpu.memory_space<vmem>>) target(%dma_start3A_118 : memref<16384x3072xf32, #tpu.memory_space<hbm>>) offsets(%dma_start3A_115 : memref<16xi32, #tpu.memory_space<vmem>>) semaphore(%arg20 : memref<!tpu.dma_semaphore, #tpu.memory_space<semaphore_mem>>)
    %dma_wait3A_119 = arith.constant 2 : i32
    %dma_wait3A_120 = arith.constant 0 : i32
    %dma_wait3A_121 = tpu.memref_slice %arg15[%dma_wait3A_119, %dma_wait3A_120] : memref<8x16xi32, #tpu.memory_space<vmem>> -> memref<1x16xi32, #tpu.memory_space<vmem>>
    %dma_wait3A_122 = tpu.memref_squeeze %dma_wait3A_121 : memref<1x16xi32, #tpu.memory_space<vmem>> -> memref<16xi32, #tpu.memory_space<vmem>>
    %dma_wait3A_123 = arith.constant 0 : i32
    %dma_wait3A_124 = arith.constant 0 : i32
    %dma_wait3A_125 = tpu.memref_slice %arg7[%dma_wait3A_123, %dma_wait3A_124] : memref<16384x3072xf32, #tpu.memory_space<hbm>> -> memref<16384x3072xf32, #tpu.memory_space<hbm>>
    tpu.wait_indirect_dma semaphore(%arg20 : memref<!tpu.dma_semaphore, #tpu.memory_space<semaphore_mem>>) src(%arg16 : memref<16x3072xf32, #tpu.memory_space<vmem>>) dst(%dma_wait3A_125 : memref<16384x3072xf32, #tpu.memory_space<hbm>>)
    %dma_start3A_126 = arith.constant 0 : i32
    %dma_start3A_127 = arith.constant 0 : i32
    %dma_start3A_128 = tpu.memref_slice %arg2[%dma_start3A_126, %dma_start3A_127] : memref<4096x3072xf32, #tpu.memory_space<hbm>> -> memref<4096x3072xf32, #tpu.memory_space<hbm>>
    tpu.enqueue_indirect_dma source(%dma_start3A_128 : memref<4096x3072xf32, #tpu.memory_space<hbm>>) target(%arg16 : memref<16x3072xf32, #tpu.memory_space<vmem>>) offsets(%get3A_47 : vector<16xi32>) semaphore(%arg18 : memref<!tpu.dma_semaphore, #tpu.memory_space<semaphore_mem>>)
    %dma_wait3A_129 = arith.constant 0 : i32
    %dma_wait3A_130 = arith.constant 0 : i32
    %dma_wait3A_131 = tpu.memref_slice %arg2[%dma_wait3A_129, %dma_wait3A_130] : memref<4096x3072xf32, #tpu.memory_space<hbm>> -> memref<4096x3072xf32, #tpu.memory_space<hbm>>
    tpu.wait_indirect_dma semaphore(%arg19 : memref<!tpu.dma_semaphore, #tpu.memory_space<semaphore_mem>>) src(%dma_wait3A_131 : memref<4096x3072xf32, #tpu.memory_space<hbm>>) dst(%arg17 : memref<16x3072xf32, #tpu.memory_space<vmem>>)
    %dma_start3A_132 = arith.constant 3 : i32
    %dma_start3A_133 = arith.constant 0 : i32
    %dma_start3A_134 = tpu.memref_slice %arg15[%dma_start3A_132, %dma_start3A_133] : memref<8x16xi32, #tpu.memory_space<vmem>> -> memref<1x16xi32, #tpu.memory_space<vmem>>
    %dma_start3A_135 = tpu.memref_squeeze %dma_start3A_134 : memref<1x16xi32, #tpu.memory_space<vmem>> -> memref<16xi32, #tpu.memory_space<vmem>>
    %dma_start3A_136 = arith.constant 0 : i32
    %dma_start3A_137 = arith.constant 0 : i32
    %dma_start3A_138 = tpu.memref_slice %arg7[%dma_start3A_136, %dma_start3A_137] : memref<16384x3072xf32, #tpu.memory_space<hbm>> -> memref<16384x3072xf32, #tpu.memory_space<hbm>>
    tpu.enqueue_indirect_dma source(%arg17 : memref<16x3072xf32, #tpu.memory_space<vmem>>) target(%dma_start3A_138 : memref<16384x3072xf32, #tpu.memory_space<hbm>>) offsets(%dma_start3A_135 : memref<16xi32, #tpu.memory_space<vmem>>) semaphore(%arg21 : memref<!tpu.dma_semaphore, #tpu.memory_space<semaphore_mem>>)
    %dma_wait3A_139 = arith.constant 3 : i32
    %dma_wait3A_140 = arith.constant 0 : i32
    %dma_wait3A_141 = tpu.memref_slice %arg15[%dma_wait3A_139, %dma_wait3A_140] : memref<8x16xi32, #tpu.memory_space<vmem>> -> memref<1x16xi32, #tpu.memory_space<vmem>>
    %dma_wait3A_142 = tpu.memref_squeeze %dma_wait3A_141 : memref<1x16xi32, #tpu.memory_space<vmem>> -> memref<16xi32, #tpu.memory_space<vmem>>
    %dma_wait3A_143 = arith.constant 0 : i32
    %dma_wait3A_144 = arith.constant 0 : i32
    %dma_wait3A_145 = tpu.memref_slice %arg7[%dma_wait3A_143, %dma_wait3A_144] : memref<16384x3072xf32, #tpu.memory_space<hbm>> -> memref<16384x3072xf32, #tpu.memory_space<hbm>>
    tpu.wait_indirect_dma semaphore(%arg21 : memref<!tpu.dma_semaphore, #tpu.memory_space<semaphore_mem>>) src(%arg17 : memref<16x3072xf32, #tpu.memory_space<vmem>>) dst(%dma_wait3A_145 : memref<16384x3072xf32, #tpu.memory_space<hbm>>)
    %dma_start3A_146 = arith.constant 0 : i32
    %dma_start3A_147 = arith.constant 0 : i32
    %dma_start3A_148 = tpu.memref_slice %arg2[%dma_start3A_146, %dma_start3A_147] : memref<4096x3072xf32, #tpu.memory_space<hbm>> -> memref<4096x3072xf32, #tpu.memory_space<hbm>>
    tpu.enqueue_indirect_dma source(%dma_start3A_148 : memref<4096x3072xf32, #tpu.memory_space<hbm>>) target(%arg17 : memref<16x3072xf32, #tpu.memory_space<vmem>>) offsets(%get3A_52 : vector<16xi32>) semaphore(%arg19 : memref<!tpu.dma_semaphore, #tpu.memory_space<semaphore_mem>>)
    %dma_wait3A_149 = arith.constant 0 : i32
    %dma_wait3A_150 = arith.constant 0 : i32
    %dma_wait3A_151 = tpu.memref_slice %arg2[%dma_wait3A_149, %dma_wait3A_150] : memref<4096x3072xf32, #tpu.memory_space<hbm>> -> memref<4096x3072xf32, #tpu.memory_space<hbm>>
    tpu.wait_indirect_dma semaphore(%arg18 : memref<!tpu.dma_semaphore, #tpu.memory_space<semaphore_mem>>) src(%dma_wait3A_151 : memref<4096x3072xf32, #tpu.memory_space<hbm>>) dst(%arg16 : memref<16x3072xf32, #tpu.memory_space<vmem>>)
    %dma_start3A_152 = arith.constant 4 : i32
    %dma_start3A_153 = arith.constant 0 : i32
    %dma_start3A_154 = tpu.memref_slice %arg15[%dma_start3A_152, %dma_start3A_153] : memref<8x16xi32, #tpu.memory_space<vmem>> -> memref<1x16xi32, #tpu.memory_space<vmem>>
    %dma_start3A_155 = tpu.memref_squeeze %dma_start3A_154 : memref<1x16xi32, #tpu.memory_space<vmem>> -> memref<16xi32, #tpu.memory_space<vmem>>
    %dma_start3A_156 = arith.constant 0 : i32
    %dma_start3A_157 = arith.constant 0 : i32
    %dma_start3A_158 = tpu.memref_slice %arg7[%dma_start3A_156, %dma_start3A_157] : memref<16384x3072xf32, #tpu.memory_space<hbm>> -> memref<16384x3072xf32, #tpu.memory_space<hbm>>
    tpu.enqueue_indirect_dma source(%arg16 : memref<16x3072xf32, #tpu.memory_space<vmem>>) target(%dma_start3A_158 : memref<16384x3072xf32, #tpu.memory_space<hbm>>) offsets(%dma_start3A_155 : memref<16xi32, #tpu.memory_space<vmem>>) semaphore(%arg20 : memref<!tpu.dma_semaphore, #tpu.memory_space<semaphore_mem>>)
    %dma_wait3A_159 = arith.constant 4 : i32
    %dma_wait3A_160 = arith.constant 0 : i32
    %dma_wait3A_161 = tpu.memref_slice %arg15[%dma_wait3A_159, %dma_wait3A_160] : memref<8x16xi32, #tpu.memory_space<vmem>> -> memref<1x16xi32, #tpu.memory_space<vmem>>
    %dma_wait3A_162 = tpu.memref_squeeze %dma_wait3A_161 : memref<1x16xi32, #tpu.memory_space<vmem>> -> memref<16xi32, #tpu.memory_space<vmem>>
    %dma_wait3A_163 = arith.constant 0 : i32
    %dma_wait3A_164 = arith.constant 0 : i32
    %dma_wait3A_165 = tpu.memref_slice %arg7[%dma_wait3A_163, %dma_wait3A_164] : memref<16384x3072xf32, #tpu.memory_space<hbm>> -> memref<16384x3072xf32, #tpu.memory_space<hbm>>
    tpu.wait_indirect_dma semaphore(%arg20 : memref<!tpu.dma_semaphore, #tpu.memory_space<semaphore_mem>>) src(%arg16 : memref<16x3072xf32, #tpu.memory_space<vmem>>) dst(%dma_wait3A_165 : memref<16384x3072xf32, #tpu.memory_space<hbm>>)
    %dma_start3A_166 = arith.constant 0 : i32
    %dma_start3A_167 = arith.constant 0 : i32
    %dma_start3A_168 = tpu.memref_slice %arg2[%dma_start3A_166, %dma_start3A_167] : memref<4096x3072xf32, #tpu.memory_space<hbm>> -> memref<4096x3072xf32, #tpu.memory_space<hbm>>
    tpu.enqueue_indirect_dma source(%dma_start3A_168 : memref<4096x3072xf32, #tpu.memory_space<hbm>>) target(%arg16 : memref<16x3072xf32, #tpu.memory_space<vmem>>) offsets(%get3A_57 : vector<16xi32>) semaphore(%arg18 : memref<!tpu.dma_semaphore, #tpu.memory_space<semaphore_mem>>)
    %dma_wait3A_169 = arith.constant 0 : i32
    %dma_wait3A_170 = arith.constant 0 : i32
    %dma_wait3A_171 = tpu.memref_slice %arg2[%dma_wait3A_169, %dma_wait3A_170] : memref<4096x3072xf32, #tpu.memory_space<hbm>> -> memref<4096x3072xf32, #tpu.memory_space<hbm>>
    tpu.wait_indirect_dma semaphore(%arg19 : memref<!tpu.dma_semaphore, #tpu.memory_space<semaphore_mem>>) src(%dma_wait3A_171 : memref<4096x3072xf32, #tpu.memory_space<hbm>>) dst(%arg17 : memref<16x3072xf32, #tpu.memory_space<vmem>>)
    %dma_start3A_172 = arith.constant 5 : i32
    %dma_start3A_173 = arith.constant 0 : i32
    %dma_start3A_174 = tpu.memref_slice %arg15[%dma_start3A_172, %dma_start3A_173] : memref<8x16xi32, #tpu.memory_space<vmem>> -> memref<1x16xi32, #tpu.memory_space<vmem>>
    %dma_start3A_175 = tpu.memref_squeeze %dma_start3A_174 : memref<1x16xi32, #tpu.memory_space<vmem>> -> memref<16xi32, #tpu.memory_space<vmem>>
    %dma_start3A_176 = arith.constant 0 : i32
    %dma_start3A_177 = arith.constant 0 : i32
    %dma_start3A_178 = tpu.memref_slice %arg7[%dma_start3A_176, %dma_start3A_177] : memref<16384x3072xf32, #tpu.memory_space<hbm>> -> memref<16384x3072xf32, #tpu.memory_space<hbm>>
    tpu.enqueue_indirect_dma source(%arg17 : memref<16x3072xf32, #tpu.memory_space<vmem>>) target(%dma_start3A_178 : memref<16384x3072xf32, #tpu.memory_space<hbm>>) offsets(%dma_start3A_175 : memref<16xi32, #tpu.memory_space<vmem>>) semaphore(%arg21 : memref<!tpu.dma_semaphore, #tpu.memory_space<semaphore_mem>>)
    %dma_wait3A_179 = arith.constant 5 : i32
    %dma_wait3A_180 = arith.constant 0 : i32
    %dma_wait3A_181 = tpu.memref_slice %arg15[%dma_wait3A_179, %dma_wait3A_180] : memref<8x16xi32, #tpu.memory_space<vmem>> -> memref<1x16xi32, #tpu.memory_space<vmem>>
    %dma_wait3A_182 = tpu.memref_squeeze %dma_wait3A_181 : memref<1x16xi32, #tpu.memory_space<vmem>> -> memref<16xi32, #tpu.memory_space<vmem>>
    %dma_wait3A_183 = arith.constant 0 : i32
    %dma_wait3A_184 = arith.constant 0 : i32
    %dma_wait3A_185 = tpu.memref_slice %arg7[%dma_wait3A_183, %dma_wait3A_184] : memref<16384x3072xf32, #tpu.memory_space<hbm>> -> memref<16384x3072xf32, #tpu.memory_space<hbm>>
    tpu.wait_indirect_dma semaphore(%arg21 : memref<!tpu.dma_semaphore, #tpu.memory_space<semaphore_mem>>) src(%arg17 : memref<16x3072xf32, #tpu.memory_space<vmem>>) dst(%dma_wait3A_185 : memref<16384x3072xf32, #tpu.memory_space<hbm>>)
    %dma_start3A_186 = arith.constant 0 : i32
    %dma_start3A_187 = arith.constant 0 : i32
    %dma_start3A_188 = tpu.memref_slice %arg2[%dma_start3A_186, %dma_start3A_187] : memref<4096x3072xf32, #tpu.memory_space<hbm>> -> memref<4096x3072xf32, #tpu.memory_space<hbm>>
    tpu.enqueue_indirect_dma source(%dma_start3A_188 : memref<4096x3072xf32, #tpu.memory_space<hbm>>) target(%arg17 : memref<16x3072xf32, #tpu.memory_space<vmem>>) offsets(%get3A_62 : vector<16xi32>) semaphore(%arg19 : memref<!tpu.dma_semaphore, #tpu.memory_space<semaphore_mem>>)
    %dma_wait3A_189 = arith.constant 0 : i32
    %dma_wait3A_190 = arith.constant 0 : i32
    %dma_wait3A_191 = tpu.memref_slice %arg2[%dma_wait3A_189, %dma_wait3A_190] : memref<4096x3072xf32, #tpu.memory_space<hbm>> -> memref<4096x3072xf32, #tpu.memory_space<hbm>>
    tpu.wait_indirect_dma semaphore(%arg18 : memref<!tpu.dma_semaphore, #tpu.memory_space<semaphore_mem>>) src(%dma_wait3A_191 : memref<4096x3072xf32, #tpu.memory_space<hbm>>) dst(%arg16 : memref<16x3072xf32, #tpu.memory_space<vmem>>)
    %dma_start3A_192 = arith.constant 6 : i32
    %dma_start3A_193 = arith.constant 0 : i32
    %dma_start3A_194 = tpu.memref_slice %arg15[%dma_start3A_192, %dma_start3A_193] : memref<8x16xi32, #tpu.memory_space<vmem>> -> memref<1x16xi32, #tpu.memory_space<vmem>>
    %dma_start3A_195 = tpu.memref_squeeze %dma_start3A_194 : memref<1x16xi32, #tpu.memory_space<vmem>> -> memref<16xi32, #tpu.memory_space<vmem>>
    %dma_start3A_196 = arith.constant 0 : i32
    %dma_start3A_197 = arith.constant 0 : i32
    %dma_start3A_198 = tpu.memref_slice %arg7[%dma_start3A_196, %dma_start3A_197] : memref<16384x3072xf32, #tpu.memory_space<hbm>> -> memref<16384x3072xf32, #tpu.memory_space<hbm>>
    tpu.enqueue_indirect_dma source(%arg16 : memref<16x3072xf32, #tpu.memory_space<vmem>>) target(%dma_start3A_198 : memref<16384x3072xf32, #tpu.memory_space<hbm>>) offsets(%dma_start3A_195 : memref<16xi32, #tpu.memory_space<vmem>>) semaphore(%arg20 : memref<!tpu.dma_semaphore, #tpu.memory_space<semaphore_mem>>)
    %dma_wait3A_199 = arith.constant 6 : i32
    %dma_wait3A_200 = arith.constant 0 : i32
    %dma_wait3A_201 = tpu.memref_slice %arg15[%dma_wait3A_199, %dma_wait3A_200] : memref<8x16xi32, #tpu.memory_space<vmem>> -> memref<1x16xi32, #tpu.memory_space<vmem>>
    %dma_wait3A_202 = tpu.memref_squeeze %dma_wait3A_201 : memref<1x16xi32, #tpu.memory_space<vmem>> -> memref<16xi32, #tpu.memory_space<vmem>>
    %dma_wait3A_203 = arith.constant 0 : i32
    %dma_wait3A_204 = arith.constant 0 : i32
    %dma_wait3A_205 = tpu.memref_slice %arg7[%dma_wait3A_203, %dma_wait3A_204] : memref<16384x3072xf32, #tpu.memory_space<hbm>> -> memref<16384x3072xf32, #tpu.memory_space<hbm>>
    tpu.wait_indirect_dma semaphore(%arg20 : memref<!tpu.dma_semaphore, #tpu.memory_space<semaphore_mem>>) src(%arg16 : memref<16x3072xf32, #tpu.memory_space<vmem>>) dst(%dma_wait3A_205 : memref<16384x3072xf32, #tpu.memory_space<hbm>>)
    %dma_wait3A_206 = arith.constant 0 : i32
    %dma_wait3A_207 = arith.constant 0 : i32
    %dma_wait3A_208 = tpu.memref_slice %arg2[%dma_wait3A_206, %dma_wait3A_207] : memref<4096x3072xf32, #tpu.memory_space<hbm>> -> memref<4096x3072xf32, #tpu.memory_space<hbm>>
    tpu.wait_indirect_dma semaphore(%arg19 : memref<!tpu.dma_semaphore, #tpu.memory_space<semaphore_mem>>) src(%dma_wait3A_208 : memref<4096x3072xf32, #tpu.memory_space<hbm>>) dst(%arg17 : memref<16x3072xf32, #tpu.memory_space<vmem>>)
    %dma_start3A_209 = arith.constant 7 : i32
    %dma_start3A_210 = arith.constant 0 : i32
    %dma_start3A_211 = tpu.memref_slice %arg15[%dma_start3A_209, %dma_start3A_210] : memref<8x16xi32, #tpu.memory_space<vmem>> -> memref<1x16xi32, #tpu.memory_space<vmem>>
    %dma_start3A_212 = tpu.memref_squeeze %dma_start3A_211 : memref<1x16xi32, #tpu.memory_space<vmem>> -> memref<16xi32, #tpu.memory_space<vmem>>
    %dma_start3A_213 = arith.constant 0 : i32
    %dma_start3A_214 = arith.constant 0 : i32
    %dma_start3A_215 = tpu.memref_slice %arg7[%dma_start3A_213, %dma_start3A_214] : memref<16384x3072xf32, #tpu.memory_space<hbm>> -> memref<16384x3072xf32, #tpu.memory_space<hbm>>
    tpu.enqueue_indirect_dma source(%arg17 : memref<16x3072xf32, #tpu.memory_space<vmem>>) target(%dma_start3A_215 : memref<16384x3072xf32, #tpu.memory_space<hbm>>) offsets(%dma_start3A_212 : memref<16xi32, #tpu.memory_space<vmem>>) semaphore(%arg21 : memref<!tpu.dma_semaphore, #tpu.memory_space<semaphore_mem>>)
    %scan3A = arith.constant 0 : i32
    %scan3A_216 = arith.constant 0 : i32
    %scan3A_217 = arith.constant 256 : i32
    %scan3A_218 = arith.addi %scan3A_216, %scan3A_217 : i32
    %scan3A_219 = arith.constant 1 : i32
    scf.for %scan3A_228 = %scan3A_216 to %scan3A_218 step %scan3A_219  : i32 {
      %mul3A_229 = arith.constant 16 : i32
      %mul3A_230 = arith.muli %scan3A_228, %mul3A_229 : i32
      %multiple_of3A_231 = tpu.assume_multiple %mul3A_230, 16 : i32
      %get3A_232 = arith.index_cast %multiple_of3A_231 : i32 to index
      %get3A_233 = tpu.vector_load %arg11[%get3A_232] {strides = array<i32>} : memref<4096xi32, #tpu.memory_space<vmem>>, vector<16xi32>,
      %get3A_234 = arith.index_cast %multiple_of3A_231 : i32 to index
      %get3A_235 = tpu.vector_load %arg12[%get3A_234] {strides = array<i32>} : memref<4096xi32, #tpu.memory_space<vmem>>, vector<16xi32>,
      %gather3A = tpu.vector_load_idx %arg13[%get3A_235] : memref<4096xi32, #tpu.memory_space<vmem>>[vector<16xi32>], vector<16xi32>,
      %sub3A = vector.broadcast %multiple_of3A : i32 to vector<16xi32>
      %sub3A_236 = arith.subi %get3A_233, %sub3A : vector<16xi32>
      %ge3A = arith.constant 0 : i32
      %ge3A_237 = vector.broadcast %ge3A : i32 to vector<16xi32>
      %ge3A_238 = arith.cmpi sge, %sub3A_236, %ge3A_237 : vector<16xi32>
      %lt3A = arith.constant 512 : i32
      %lt3A_239 = vector.broadcast %lt3A : i32 to vector<16xi32>
      %lt3A_240 = arith.cmpi slt, %sub3A_236, %lt3A_239 : vector<16xi32>
      %and3A = arith.andi %ge3A_238, %lt3A_240 : vector<16xi1>
      %jit3A = arith.constant 0 : i32
      %jit3A_241 = arith.constant 511 : i32
      %max3A = vector.broadcast %jit3A : i32 to vector<16xi32>
      %max3A_242 = arith.maxsi %max3A, %sub3A_236 : vector<16xi32>
      %min3A = vector.broadcast %jit3A_241 : i32 to vector<16xi32>
      %min3A_243 = arith.minsi %min3A, %max3A_242 : vector<16xi32>
      tpu.vector_store_idx %arg14[%min3A_243], %gather3A masked %and3A : memref<512xi32, #tpu.memory_space<vmem>>[vector<16xi32>], vector<16xi32>, vector<16xi1>
    }
    %scan3A_220 = arith.constant 256 : i32
    "tpu.region"() ({
      %run_scoped3A = tpu.sem_alloc : memref<!tpu.dma_semaphore, #tpu.memory_space<semaphore_mem>>
      %dma_start3A_228 = tpu.memref_slice %arg8[%multiple_of3A] : memref<16384xi32, #tpu.memory_space<hbm>> -> memref<512xi32, #tpu.memory_space<hbm>>
      %dma_start3A_229 = tpu.memref_slice %arg8[%multiple_of3A] : memref<16384xi32, #tpu.memory_space<hbm>> -> memref<512xi32, #tpu.memory_space<hbm>>
      tpu.enqueue_dma source(%arg14 : memref<512xi32, #tpu.memory_space<vmem>>) target(%dma_start3A_229 : memref<512xi32, #tpu.memory_space<hbm>>) target_semaphore(%run_scoped3A : memref<!tpu.dma_semaphore, #tpu.memory_space<semaphore_mem>>)
      %dma_wait3A_230 = tpu.memref_slice %arg8[%multiple_of3A] : memref<16384xi32, #tpu.memory_space<hbm>> -> memref<512xi32, #tpu.memory_space<hbm>>
      %dma_wait3A_231 = tpu.memref_slice %arg8[%multiple_of3A] : memref<16384xi32, #tpu.memory_space<hbm>> -> memref<512xi32, #tpu.memory_space<hbm>>
      tpu.wait_dma2 semaphore(%run_scoped3A : memref<!tpu.dma_semaphore, #tpu.memory_space<semaphore_mem>>) src(%arg14 : memref<512xi32, #tpu.memory_space<vmem>>) dst(%dma_wait3A_231 : memref<512xi32, #tpu.memory_space<hbm>>)
      tpu.yield
    }) : () -> ()
    %dma_wait3A_221 = arith.constant 7 : i32
    %dma_wait3A_222 = arith.constant 0 : i32
    %dma_wait3A_223 = tpu.memref_slice %arg15[%dma_wait3A_221, %dma_wait3A_222] : memref<8x16xi32, #tpu.memory_space<vmem>> -> memref<1x16xi32, #tpu.memory_space<vmem>>
    %dma_wait3A_224 = tpu.memref_squeeze %dma_wait3A_223 : memref<1x16xi32, #tpu.memory_space<vmem>> -> memref<16xi32, #tpu.memory_space<vmem>>
    %dma_wait3A_225 = arith.constant 0 : i32
    %dma_wait3A_226 = arith.constant 0 : i32
    %dma_wait3A_227 = tpu.memref_slice %arg7[%dma_wait3A_225, %dma_wait3A_226] : memref<16384x3072xf32, #tpu.memory_space<hbm>> -> memref<16384x3072xf32, #tpu.memory_space<hbm>>
    tpu.wait_indirect_dma semaphore(%arg21 : memref<!tpu.dma_semaphore, #tpu.memory_space<semaphore_mem>>) src(%arg17 : memref<16x3072xf32, #tpu.memory_space<vmem>>) dst(%dma_wait3A_227 : memref<16384x3072xf32, #tpu.memory_space<hbm>>)
    return
  }
}

module attributes {stable_mosaic.version = 14 : i64} {
  func.func @_winner_body(%arg0: i32, %arg1: memref<512x1xi32, #tpu.memory_space<vmem>>, %arg2: memref<1x4096xi32, #tpu.memory_space<vmem>>, %arg3: memref<512x1xi32, #tpu.memory_space<vmem>>) attributes {dimension_semantics = [#tpu.dimension_semantics<arbitrary>], iteration_bounds = array<i64: 8>, scalar_prefetch = 0 : i64, scratch_operands = 0 : i64, tpu.core_type = #tpu.core_type<tc>, window_params = [{transform_indices = @transform_0, window_bounds = array<i64: 512, 1>}, {pipeline_mode = #tpu.pipeline_mode<synchronous>, transform_indices = @transform_1, window_bounds = array<i64: 1, 4096>}, {transform_indices = @transform_2, window_bounds = array<i64: 512, 1>}]} {
    %get3A = arith.constant 0 : index
    %get3A_0 = arith.constant 0 : index
    %get3A_1 = vector.load %arg1[%get3A, %get3A_0] : memref<512x1xi32, #tpu.memory_space<vmem>>, vector<512x1xi32>
    %get3A_2 = arith.constant 0 : index
    %get3A_3 = arith.constant 0 : index
    %get3A_4 = vector.load %arg2[%get3A_2, %get3A_3] : memref<1x4096xi32, #tpu.memory_space<vmem>>, vector<1x4096xi32>
    %eq3A = vector.broadcast %get3A_1 : vector<512x1xi32> to vector<512x4096xi32>
    %eq3A_5 = vector.broadcast %get3A_4 : vector<1x4096xi32> to vector<512x4096xi32>
    %eq3A_6 = arith.cmpi eq, %eq3A, %eq3A_5 : vector<512x4096xi32>
    %iota3A = tpu.iota {dimensions = array<i32: 1>} : vector<512x4096xi32>
    %jit3A = arith.constant -1 : i32
    %broadcast_in_dim3A = vector.broadcast %jit3A : i32 to vector<512x4096xi32>
    %select_n3A = arith.select %eq3A_6, %iota3A, %broadcast_in_dim3A : vector<512x4096xi1>, vector<512x4096xi32>
    %reduce_max3A = arith.constant dense<-2147483648> : vector<512xi32>
    %reduce_max3A_7 = vector.multi_reduction <maxsi>, %select_n3A, %reduce_max3A [1] : vector<512x4096xi32> to vector<512xi32>
    %broadcast_in_dim3A_8 = vector.shape_cast %reduce_max3A_7 : vector<512xi32> to vector<512x1xi32>
    %swap3A = arith.constant 0 : index
    %swap3A_9 = arith.constant 0 : index
    %swap3A_10 = vector.load %arg3[%swap3A, %swap3A_9] : memref<512x1xi32, #tpu.memory_space<vmem>>, vector<512x1xi32>
    tpu.vector_store %arg3[%swap3A, %swap3A_9], %broadcast_in_dim3A_8 {strides = array<i32>} : memref<512x1xi32, #tpu.memory_space<vmem>>, vector<512x1xi32>,
    return
  }
  func.func @transform_0(%arg0: i32) -> (i32, i32) {
    %c0_i32 = arith.constant 0 : i32
    %c0_i32_0 = arith.constant 0 : i32
    return %arg0, %c0_i32 : i32, i32
  }
  func.func @transform_1(%arg0: i32) -> (i32, i32) {
    %c0_i32 = arith.constant 0 : i32
    %c0_i32_0 = arith.constant 0 : i32
    %c0_i32_1 = arith.constant 0 : i32
    return %c0_i32, %c0_i32_0 : i32, i32
  }
  func.func @transform_2(%arg0: i32) -> (i32, i32) {
    %c0_i32 = arith.constant 0 : i32
    %c0_i32_0 = arith.constant 0 : i32
    return %arg0, %c0_i32 : i32, i32
  }
}

</mosaic_0001>

<sc_bundles>
// kernel: kernel.4.cloned.1.call-start
scs
__scs_entry_jumppad:
0x0: {  	(pc) =	sbr.rel $0x88, $3  }
0x1: {  	(tag) =	ssettag $0x0;
	lr =	simm.s32 $0x1  }
0x2: {  	[smem:$0x3F9C] =	sst lr;
	_ =	strace $0xD0000000  }
0x3: {  	_ = 	snop  }
0x4: {  	_ = 	snop  }
0x5: {  	_ = 	snop  }
0x6: {  	_ = 	snop  }
0x7: {  	_ = 	snop  }
__scs_overlays_trampoline_lowered:
0x8: {  	[smem:$0x3FAB] =	sst s0  }
0x9: {  	[smem:$0x3FAC] =	sst s1  }
0xa: {  	[smem:$0x3FAD] =	sst s2  }
0xb: {  	[smem:$0x3FAE] =	sst s3  }
0xc: {  	[smem:$0x3FAF] =	sst s4  }
0xd: {  	[smem:$0x3FB0] =	sst s5  }
0xe: {  	[smem:$0x3FB1] =	sst s6  }
0xf: {  	[smem:$0x3FB2] =	sst s7  }
0x10: {  	[smem:$0x3FB3] =	sst s8  }
0x11: {  	[smem:$0x3FB4] =	sst s9;
	s0 =	simm.s32 @!p0 $0x0  }
0x12: {  	s1 =	sld [smem:$0x3F9A];
	s0 =	simm.s32 @p0 $0x1  }
0x13: {  	[smem:$0x3FB5] =	sst s0;
	s0 =	simm.s32 @!p1 $0x0  }
0x14: {  	s2 =	sld [smem:$0x3F99];
	s0 =	simm.s32 @p1 $0x1  }
0x15: {  	[smem:$0x3FB6] =	sst s0;
	s0 =	simm.s32 @!p2 $0x0  }
0x16: {  	s3 =	sld [smem:$0x3FDB];
	s0 =	simm.s32 @p2 $0x1  }
0x17: {  	s4 =	simm.s32 $0x1BF5;
	[smem:$0x3FB8] =	sst s0  }
0x18: {  	s0 =	sld [smem:$0x3F9B];
	_ =	swait.ge [sflag:s4], $0x0  }
0x19: {  	s7 =	sld [smem:$0x3F9C]  }
0x1a: {  	s8 =	sadd.s32 $0xFFFFE003, lr  }
0x1b: {  	s9 =	sadd.s32 $0xFFFFFEF7, lr;
	s5 =	simm.s32 $0xFFFFFFFF;
	p2 =	slt.u32 s8, $0xFFFFF086  }
0x1c: {  	p1 =	slt.u32 s9, $0xF7A;
	s5 =	simm.s32 @!p2 $0x0  }
0x1d: {  	s5 =	simm.s32 @p1 $0x1;
	p0 =	seq.s32 s7, s2  }
0x1e: {  	s7 =	smul.u32 @!p0 $0xF7A, s2;
	p2 =	seq.s32 @!p0 s5, $0x0  }
0x1f: {  	s9 =	smul.u32 $0xF7A, s1;
	s8 =	simm.s32 @!p0 $0x1BF5;
	p2 =	por !p2, p0  }
0x20: {  	[sflag:s8] =	ssyncset.s32 @!p0 $0xFFFFF086;
	s6 =	sadd.s32 @!p0 s3, s7;
	s7 =	simm.s32 @!p0 $0x108  }
0x21: {  	s3 =	sadd.s32 s3, s9;
	s6 =	sadd.s32 @!p0 $0x88, s6;
	s7 =	simm.s32 @p2 $0x1082  }
0x22: {  	[simem:s7], [sflag:s8] =	dma.local @!p0 [hbm:s6], $0xF7A  }
0x23: {  	s9 =	sor.u32 $0xD0000000, s2;
	s6 =	simm.s32 $0x108;
	_ =	swait.ge @!p0 [sflag:s8], $0x0  }
0x24: {  	s3 =	sadd.s32 $0x88, s3;
	s6 =	simm.s32 @!p1 $0x1082;
	[sflag:s4] =	ssyncset.s32 $0xFFFFF086  }
0x25: {  	[simem:s6], [sflag:s4] =	dma.local [hbm:s3], $0xF7A  }
0x26: {  	[smem:$0x3F9C] =	sst s1;
	(tag) =	ssettag s2;
	_ =	strace s9  }
0x27: {  	s1 =	sld [smem:$0x3FAC]  }
0x28: {  	s2 =	sld [smem:$0x3FAD]  }
0x29: {  	s4 =	sld [smem:$0x3FAF]  }
0x2a: {  	p0 =	seq.s32 s5, $0x0;
	s5 =	sld [smem:$0x3FB0]  }
0x2b: {  	s6 =	sld [smem:$0x3FB1]  }
0x2c: {  	s7 =	sld [smem:$0x3FB2]  }
0x2d: {  	s3 =	simm.s32 $0x108;
	s8 =	sld [smem:$0x3FB3]  }
0x2e: {  	s3 =	simm.s32 @!p0 $0x1082;
	s9 =	sld [smem:$0x3FB4]  }
0x2f: {  	lr =	sadd.s32 s0, s3;
	s0 =	sld [smem:$0x3FAB]  }
0x30: {  	s3 =	sld [smem:$0x3FAE]  }
0x31: {  	[smem:$0x3FB7] =	sst s10  }
0x32: {  	s10 =	sld [smem:$0x3FB5];
	_ =	sdelay $0x3  }
0x33: {  	p0 =	seq.s32 s10, $0x1;
	s10 =	sld [smem:$0x3FB7];
	_ =	sdelay $0x3  }
0x34: {  	[smem:$0x3FB7] =	sst s10  }
0x35: {  	s10 =	sld [smem:$0x3FB6];
	_ =	sdelay $0x3  }
0x36: {  	p1 =	seq.s32 s10, $0x1;
	s10 =	sld [smem:$0x3FB7];
	_ =	sdelay $0x3  }
0x37: {  	[smem:$0x3FB7] =	sst s10  }
0x38: {  	s10 =	sld [smem:$0x3FB8]  }
0x39: {  	_ = 	snop;
	(pc) =	sbr.ind lr, $3  }
0x3a: {  	_ = 	snop  }
0x3b: {  	_ = 	snop  }
0x3c: {  	p2 =	seq.s32 s10, $0x1;
	s10 =	sld [smem:$0x3FB7]  }
0x3d: {  	_ =	shalt  }
0x3e: {  	_ =	shalt  }
0x3f: {  	_ =	shalt  }
0x40: {  	_ =	shalt  }
0x41: {  	_ =	shalt  }
0x42: {  	_ =	shalt  }
0x43: {  	_ =	shalt  }
0x44: {  	_ =	shalt  }
0x45: {  	_ =	shalt  }
0x46: {  	_ =	shalt  }
0x47: {  	_ =	shalt  }
0x48: {  	_ =	shalt  }
0x49: {  	_ =	shalt  }
0x4a: {  	_ =	shalt  }
0x4b: {  	_ =	shalt  }
0x4c: {  	_ =	shalt  }
0x4d: {  	_ =	shalt  }
0x4e: {  	_ =	shalt  }
0x4f: {  	_ =	shalt  }
0x50: {  	_ =	shalt  }
0x51: {  	_ =	shalt  }
0x52: {  	_ =	shalt  }
0x53: {  	_ =	shalt  }
0x54: {  	_ =	shalt  }
0x55: {  	_ =	shalt  }
0x56: {  	_ =	shalt  }
0x57: {  	_ =	shalt  }
0x58: {  	_ =	shalt  }
0x59: {  	_ =	shalt  }
0x5a: {  	_ =	shalt  }
0x5b: {  	_ =	shalt  }
0x5c: {  	_ =	shalt  }
0x5d: {  	_ =	shalt  }
0x5e: {  	_ =	shalt  }
0x5f: {  	_ =	shalt  }
0x60: {  	_ =	shalt  }
0x61: {  	_ =	shalt  }
0x62: {  	_ =	shalt  }
0x63: {  	_ =	shalt  }
0x64: {  	_ =	shalt  }
0x65: {  	_ =	shalt  }
0x66: {  	_ =	shalt  }
0x67: {  	_ =	shalt  }
0x68: {  	_ =	shalt  }
0x69: {  	_ =	shalt  }
0x6a: {  	_ =	shalt  }
0x6b: {  	_ =	shalt  }
0x6c: {  	_ =	shalt  }
0x6d: {  	_ =	shalt  }
0x6e: {  	_ =	shalt  }
0x6f: {  	_ =	shalt  }
0x70: {  	_ =	shalt  }
0x71: {  	_ =	shalt  }
0x72: {  	_ =	shalt  }
0x73: {  	_ =	shalt  }
0x74: {  	_ =	shalt  }
0x75: {  	_ =	shalt  }
0x76: {  	_ =	shalt  }
0x77: {  	_ =	shalt  }
0x78: {  	_ =	shalt  }
0x79: {  	_ =	shalt  }
0x7a: {  	_ =	shalt  }
0x7b: {  	_ =	shalt  }
0x7c: {  	_ =	shalt  }
0x7d: {  	_ =	shalt  }
0x7e: {  	_ =	shalt  }
0x7f: {  	_ =	shalt  }
0x80: {  	_ =	shalt  }
0x81: {  	_ =	shalt  }
0x82: {  	_ =	shalt  }
0x83: {  	_ =	shalt  }
0x84: {  	_ =	shalt  }
0x85: {  	_ =	shalt  }
0x86: {  	_ =	shalt  }
0x87: {  	_ =	shalt  }
.Lfunc_end0:
.L_simem_size_0:
called_computation_lowered:
.L_overlay_start_0:
0x88: {  	s2 =	sld [smem:$0x3FD9]  }
0x89: {  	s3 =	sld [smem:$0x3FFE];
	_ =	sdelay $0x1  }
0x8a: {  	s1 =	srdreg.scid  }
0x8b: {  	s0 =	sand.u32 $0x1, s1  }
0x8c: {  	s14 =	sshll.u32 s0, $0xA;
	s2 =	sadd.s32 s3, s2  }
0x8d: {  	s2 =	sadd.s32 s2, s14  }
0x8e: {  	[smem:$0x3FC3] =	sst s2  }
0x8f: {  	_ = 	snop  }
0x90: {  	s2 =	sld [smem:$0x3FD0];
	_ =	sdelay $0x1  }
0x91: {  	s15 =	sld [smem:$0x3FC7]  }
0x92: {  	s5 =	simm.s32 $0xA;
	s6 =	simm.s32 $0x10;
	s4 =	sld [smem:$0x3FC5]  }
0x93: {  	[smem:s6], [sflag:s5] =	dma.local [hbm:s2], $0x1  }
0x94: {  	_ =	swait.eq [sflag:s5], $0x1  }
0x95: {  	[sflag:s5] =	ssyncset.done $0x0  }
0x96: {  	s16 =	sld [smem:$0x10];
	[sflag:s5] =	ssyncadd.s32 $0xFFFFFFFF  }
0x97: {  	s17 =	sld [smem:$0x11];
	(tm) =	ssettm $0x1  }
0x98: {  	s18 =	sld [smem:$0x3FFB];
	_ =	sdelay $0x3  }
0x99: {  	_ =	strace s18  }
0x9a: {  	s6 =	sld [smem:$0x3FFC];
	_ =	sdelay $0x3  }
0x9b: {  	_ =	strace s6  }
0x9c: {  	s6 =	sld [smem:$0x3FFD];
	_ =	sdelay $0x3  }
0x9d: {  	_ =	strace s6  }
0x9e: {  	_ =	strace $0x8FFFFFFF  }
0x9f: {  	s19 =	sld [smem:$0x3FDB];
	_ =	sdelay $0x1  }
0xa0: {  	s7 =	simm.s32 $_scs_section_size  }
0xa1: {  	s8 =	simm.s32 $_size__tile_overlayer_lowered;
	s9 =	simm.s32 $_tile_overlayer_lowered  }
0xa2: {  	s22 =	simm.s32 $0x1BFF;
	s21 =	sshll.u32 s9, $0x1;
	s6 =	sadd.s32 s7, s19  }
0xa3: {  	s10 =	simm.s32 $0x0;
	s20 =	sshll.u32 s8, $0x1;
	s8 =	sadd.s32 s21, s6  }
0xa4: {  	[timem:s10], [sflag:s22] =	dma.local [hbm:s8], s20  }
0xa5: {  	_ =	swait.ge [sflag:s22], s20  }
0xa6: {  	s7 =	ssub.s32 $0x0, s20;
	[sflag:s22] =	ssyncset.done $0x0  }
0xa7: {  	[sflag:s22] =	ssyncadd.s32 s7;
	_ =	sdelay $0x1  }
0xa8: {  	s23 =	simm.s32 $0x1B8B  }
0xa9: {  	_ =	swait.ge [sflag:s23], $0x1  }
0xaa: {  	[sflag:s23] =	ssyncset.done $0x0  }
0xab: {  	s25 =	simm.s32 $0x1B8E;
	s24 =	sld [smem:$0x3FFE];
	[sflag:s23] =	ssyncadd.s32 $0xFFFFFFFF  }
0xac: {  	s26 =	simm.s32 $execute0_lowered;
	[smem:$0x3FD2] =	sst s25  }
0xad: {  	s8 =	sshll.u32 s26, $0x1;
	_ =	strace $0x80000046;
	[dreg:$0x1] =	wrdreg $0xFFFFFFFF  }
0xae: {  	s28 =	simm.s32 $_size_execute0_lowered;
	s6 =	sadd.s32 s6, s8;
	[dreg:$0x0] =	wrdreg $0x0  }
0xaf: {  	s8 =	sshll.u32 s28, $0x1;
	[dreg:$0x2] =	wrdreg s6  }
0xb0: {  	[dreg:$0x3] =	wrdreg s8  }
0xb1: {  	[dreg:$0x4] =	wrdreg $0xC0  }
0xb2: {  	_ =	task [dreg:s10], $0x5FFFF  }
0xb3: {  	[dreg:$0x1] =	wrdreg $0xFFFFFFFF  }
0xb4: {  	[dreg:$0x0] =	wrdreg $0x60  }
0xb5: {  	[dreg:$0x2] =	wrdreg s16  }
0xb6: {  	[dreg:$0x3] =	wrdreg s15  }
0xb7: {  	[dreg:$0x4] =	wrdreg s24  }
0xb8: {  	[dreg:$0x5] =	wrdreg s4  }
0xb9: {  	[dreg:$0x6] =	wrdreg s17  }
0xba: {  	[dreg:$0x7] =	wrdreg $0x9  }
0xbb: {  	_ =	task.clear_ibuf [dreg:s10], $0x8FFFF;
	_ =	strace $0x90000046  }
0xbc: {  	s29 =	simm.s32 $0x9;
	_ =	strace $0x80000048  }
0xbd: {  	_ =	swait.ge [sflag:s29], $0x1  }
0xbe: {  	[sflag:s29] =	ssyncadd.s32 $0xFFFFFFFF  }
0xbf: {  	_ =	strace $0x90000048  }
0xc0: {  	_ =	sfence  }
0xc1: {  	s30 =	sld [smem:$0x0];
	_ =	sdelay $0x2  }
0xc2: {  	s31 =	sshll.u32 s1, $0xD;
	s1 =	sshrl.u32 s1, $0x2  }
0xc3: {  	s3 =	sand.u32 $0x4000, s31;
	s1 =	sadd.s32 s1, s30  }
0xc4: {  	s0 =	sor.u32 s3, s0;
	s1 =	sshll.u32 s1, $0x11  }
0xc5: {  	s0 =	sor.u32 s1, s0  }
0xc6: {  	s0 =	sadd.s32 $0x8F2B, s0  }
0xc7: {  	[sflag:s0] =	ssyncadd.remote.s32 $0x1  }
0xc8: {  	_ =	sfence.sel $0xFFFF  }
0xc9: {  	[dreg:$0x0] =	wrdreg $0xFFFFFFFF;
	(pc) =	sbr.abs _section_cstart, $3  }
0xca: {  	[dreg:$0x1] =	wrdreg $0xFFFFFFFF  }
0xcb: {  	_ =	task.clear_ibuf [dreg:s10], $0x2FFFF;
	_ =	strace $0x9FFFFFFF  }
0xcc: {  	(tm) =	ssettm $0x7FFFFFFF  }
0xcd: {  	_ =	shalt  }
tec
execute0_lowered:
.L_overlay_start_1:
0x0: {  	(tag) =	ssettag $0x1  }
0x1: {  	s8 =	rddreg [dreg:$0x0]  }
0x2: {  	s0 =	rddreg [dreg:$0x2]  }
0x3: {  	s1 =	rddreg [dreg:$0x4];
	s5 =	simm.s32 $0x0  }
0x4: {  	[smem:$0x7FF] =	sst s5;
	s4 =	sadd.s32 $0x601600, s0  }
0x5: {  	s6 =	sadd.s32 $0x1600, s0;
	_ =	strace $0x80000047;
	[dreg:$0x6] =	wrdreg s4  }
0x6: {  	s7 =	sadd.s32 $0x200, s8;
	[dreg:$0xc] =	wrdreg s6  }
0x7: {  	s10 =	sadd.s32 $0x1700, s0;
	[dreg:$0xe] =	wrdreg s7  }
0x8: {  	s11 =	sadd.s32 $0x1800, s0;
	[dreg:$0xf] =	wrdreg s10  }
0x9: {  	s12 =	sadd.s32 $0x1900, s0;
	[dreg:$0x10] =	wrdreg s11  }
0xa: {  	s13 =	sadd.s32 $0x1A00, s0;
	[dreg:$0x11] =	wrdreg s12  }
0xb: {  	s14 =	sadd.s32 $0x1B00, s0;
	[dreg:$0x12] =	wrdreg s13  }
0xc: {  	s15 =	sadd.s32 $0x1C00, s0;
	[dreg:$0x13] =	wrdreg s14  }
0xd: {  	s16 =	sadd.s32 $0x1D00, s0;
	[dreg:$0x14] =	wrdreg s15  }
0xe: {  	s17 =	sadd.s32 $0x1E00, s0;
	[dreg:$0x15] =	wrdreg s16  }
0xf: {  	s18 =	sadd.s32 $0x1F00, s0;
	[dreg:$0x16] =	wrdreg s17  }
0x10: {  	s19 =	sadd.s32 $0x2000, s0;
	[dreg:$0x17] =	wrdreg s18  }
0x11: {  	s21 =	sadd.s32 $0x300, s8;
	[dreg:$0x18] =	wrdreg s19  }
0x12: {  	s22 =	sadd.s32 $0x400, s8;
	[dreg:$0x1a] =	wrdreg s21  }
0x13: {  	s2 =	srdreg.scid;
	s23 =	sadd.s32 $0x500, s8;
	[dreg:$0x1b] =	wrdreg s22  }
0x14: {  	s3 =	stileid.u32;
	s25 =	sadd.s32 $0x600, s8;
	[dreg:$0x1c] =	wrdreg s23  }
0x15: {  	s2 =	sand.u32 $0x1, s2;
	s26 =	sadd.s32 $0x700, s8;
	[dreg:$0x1d] =	wrdreg s25  }
0x16: {  	s3 =	sshll.u32 s3, $0x1;
	s28 =	sadd.s32 $0x800, s8;
	[dreg:$0x1e] =	wrdreg s26  }
0x17: {  	s29 =	sadd.s32 $0x900, s8;
	s3 =	sor.u32 s2, s3;
	[dreg:$0x1f] =	wrdreg s28  }
0x18: {  	s2 =	ssub.s32 $0x2, s2;
	s6 =	sadd.s32 $0x100, s8;
	[smem:$0x7FB] =	sst s29  }
0x19: {  	s30 =	sshll.u32 s3, $0x7;
	s31 =	sshrl.u32 s2, $0x1;
	s24 =	sshll.u32 s3, $0x9  }
0x1a: {  	[dreg:$0xd] =	wrdreg s6;
	s4 =	sadd.s32 s30, s0;
	s0 =	sadd.s32 $0x2100, s0  }
0x1b: {  	s3 =	sshll.u32 s3, $0x6;
	s30 =	sadd.s32 $0xA00, s8;
	[dreg:$0x19] =	wrdreg s0  }
0x1c: {  	s2 =	ssub.s32 s2, s31;
	s31 =	sadd.s32 $0xB00, s8;
	[smem:$0x7FC] =	sst s30  }
0x1d: {  	s9 =	sadd.s32 s1, s3;
	[smem:$0x7FD] =	sst s31  }
0x1e: {  	s3 =	sadd.s32 $0x600, s4;
	[dreg:$0x7] =	wrdreg s9  }
0x1f: {  	v3 =	vlaneseq.u32;
	s4 =	sshrl.u32 s24, $0x2;
	[dreg:$0x8] =	wrdreg s3  }
0x20: {  	vm0 =	vmmov $0xffff;
	v1 =	vand.u32 $0x7, v3;
	v2 =	vshrl.u32 v3, $0x3;
	s10 =	simm.s32 $0x0;
	s20 =	smax.u32 s2, $0x1;
	[dreg:$0xa] =	wrdreg s4  }
0x21: {  	v3 =	vor.u32 $0x8, v3;
	v2 =	vmul.u32 $0x8, v2;
	s6 =	simm.s32 $0x3000;
	v0 =	vmov s24;
	[dreg:$0x9] =	wrdreg s20;
	s3 =	simm.s32 $0x2000  }
.LBB2_1:
0x22: {  	s1 =	rddreg [dreg:$0x1]  }
0x23: {  	[tilespmem:s5], [sflag:$0x1] =	stream.linear.gather [hbm4b:s1+s5], $0x1000, $0x38;
	[tilespmem:$0x1B600] =	vst v63  }
0x24: {  	s2 =	rddreg [dreg:$0x6];
	s24 =	simm.s32 $0x1000  }
0x25: {  	[tilespmem:s24], [sflag:$0x2] =	stream.linear.gather [hbm4b:s2+s5], $0x1000, $0x38;
	[tilespmem:$0x1B600] =	vst v63  }
0x26: {  	s4 =	rddreg [dreg:$0x3]  }
0x27: {  	[tilespmem:s3], [sflag:$0x3] =	stream.linear.gather [hbm4b:s4+s5], $0x1000, $0x38;
	[tilespmem:$0x1B600] =	vst v63  }
0x28: {  	[dreg:$0xb] =	wrdreg s10  }
0x29: {  	[tilespmem:s6], [sflag:$0x3] =	stream.linear.gather [hbm4b:s9+s5], $0x200, $0x38;
	[tilespmem:$0x1B600] =	vst v63  }
0x2a: {  	s7 =	rddreg [dreg:$0x8];
	s8 =	simm.s32 $0x3200;
	s0 =	simm.s32 $0x1  }
0x2b: {  	[tilespmem:s8], [sflag:$0x4] =	stream.linear.gather [hbm4b:s7+s5], $0x400, $0x38;
	[tilespmem:$0x1B600] =	vst v63  }
0x2c: {  	_ =	swait.ge [sflag:s0], $0x1000  }
0x2d: {  	[sflag:s0] =	ssyncset.done $0x0  }
0x2e: {  	s10 =	simm.s32 $0x2;
	[sflag:s0] =	ssyncadd.s32 $0xFFFFF000  }
0x2f: {  	_ =	swait.ge [sflag:s10], $0x1000  }
0x30: {  	[sflag:s10] =	ssyncset.done $0x0  }
0x31: {  	s11 =	simm.s32 $0x3;
	[sflag:s10] =	ssyncadd.s32 $0xFFFFF000  }
0x32: {  	_ =	swait.ge [sflag:s11], $0x1000  }
0x33: {  	[sflag:s11] =	ssyncset.done $0x0  }
0x34: {  	[sflag:s11] =	ssyncadd.s32 $0xFFFFF000  }
0x35: {  	_ =	swait.ge [sflag:s11], $0x200  }
0x36: {  	[sflag:s11] =	ssyncset.done $0x0  }
0x37: {  	s12 =	simm.s32 $0x4;
	[sflag:s11] =	ssyncadd.s32 $0xFFFFFE00  }
0x38: {  	_ =	swait.ge [sflag:s12], $0x400  }
0x39: {  	[sflag:s12] =	ssyncset.done $0x0  }
0x3a: {  	s13 =	rddreg [dreg:$0xa];
	[sflag:s12] =	ssyncadd.s32 $0xFFFFFC00  }
0x3b: {  	v4 =	vld [tilespmem:s13+$0x1000];
	_ =	sdelay $0x4  }
0x3c: {  	v5 =	vshrl.u32 v4, $0x3  }
0x3d: {  	v5 =	vmul.u32 $0xC0, v5  }
0x3e: {  	v4 =	vand.u32 $0x7, v4  }
0x3f: {  	v9 =	vor.u32 v4, v5  }
0x40: {  	v4 =	vperm.xlane v9, v1  }
0x41: {  	v10 =	vld [tilespmem:s13+$0x1010]  }
0x42: {  	v11 =	vld [tilespmem:s13+$0x1020];
	v12 =	vadd.s32 v2, v4  }
0x43: {  	v8 =	vld [tilespmem:s13+$0x1030]  }
0x44: {  	v7 =	vld [tilespmem:s13+$0x1040]  }
0x45: {  	s26 =	rddreg [dreg:$0x1a];
	v6 =	vld [tilespmem:s13+$0x1050]  }
0x46: {  	s14 =	simm.s32 $0x3600;
	s10 =	rddreg [dreg:$0x0];
	v5 =	vld [tilespmem:s13+$0x1060]  }
0x47: {  	v4 =	vld [tilespmem:s13+$0x1070];
	[tilespmem:s14], [sflag:$0x1] =	stream.indirect_vreg.gather [hbm4b:s10+s5], $0x80, v12, vm0, $0xb8  }
0x48: {  	s15 =	simm.s32 $0x3E00;
	s12 =	rddreg [dreg:$0xd]  }
0x49: {  	[tilespmem:s15], [sflag:$0x1] =	stream.indirect_vreg.gather [hbm4b:s12+s5], $0x80, v12, vm0, $0xb8;
	[tilespmem:$0x1B600] =	vst v63  }
0x4a: {  	s16 =	simm.s32 $0x4600;
	s13 =	rddreg [dreg:$0xe]  }
0x4b: {  	[tilespmem:s16], [sflag:$0x1] =	stream.indirect_vreg.gather [hbm4b:s13+s5], $0x80, v12, vm0, $0xb8;
	[tilespmem:$0x1B600] =	vst v63  }
0x4c: {  	s17 =	simm.s32 $0x4E00;
	s28 =	rddreg [dreg:$0x1b]  }
0x4d: {  	[tilespmem:s17], [sflag:$0x1] =	stream.indirect_vreg.gather [hbm4b:s26+s5], $0x80, v12, vm0, $0xb8;
	[tilespmem:$0x1B600] =	vst v63  }
0x4e: {  	s18 =	simm.s32 $0x5600;
	s29 =	rddreg [dreg:$0x1c]  }
0x4f: {  	[tilespmem:s18], [sflag:$0x1] =	stream.indirect_vreg.gather [hbm4b:s28+s5], $0x80, v12, vm0, $0xb8;
	[tilespmem:$0x1B600] =	vst v63  }
0x50: {  	s19 =	simm.s32 $0x5E00;
	s30 =	rddreg [dreg:$0x1d]  }
0x51: {  	[tilespmem:s19], [sflag:$0x1] =	stream.indirect_vreg.gather [hbm4b:s29+s5], $0x80, v12, vm0, $0xb8;
	[tilespmem:$0x1B600] =	vst v63  }
0x52: {  	s20 =	simm.s32 $0x6600;
	s31 =	rddreg [dreg:$0x1e]  }
0x53: {  	[tilespmem:s20], [sflag:$0x1] =	stream.indirect_vreg.gather [hbm4b:s30+s5], $0x80, v12, vm0, $0xb8;
	[tilespmem:$0x1B600] =	vst v63  }
0x54: {  	s21 =	simm.s32 $0x6E00;
	s9 =	rddreg [dreg:$0x1f]  }
0x55: {  	[tilespmem:s21], [sflag:$0x1] =	stream.indirect_vreg.gather [hbm4b:s31+s5], $0x80, v12, vm0, $0xb8;
	[tilespmem:$0x1B600] =	vst v63  }
0x56: {  	s22 =	simm.s32 $0x7600;
	s4 =	sld [smem:$0x7FB]  }
0x57: {  	[tilespmem:s22], [sflag:$0x1] =	stream.indirect_vreg.gather [hbm4b:s9+s5], $0x80, v12, vm0, $0xb8;
	[tilespmem:$0x1B600] =	vst v63  }
0x58: {  	s23 =	simm.s32 $0x7E00;
	s2 =	sld [smem:$0x7FC];
	v9 =	vperm.xlane v9, v3  }
0x59: {  	[tilespmem:s23], [sflag:$0x1] =	stream.indirect_vreg.gather [hbm4b:s4+s5], $0x80, v12, vm0, $0xb8;
	[tilespmem:$0x1B600] =	vst v63  }
0x5a: {  	s24 =	simm.s32 $0x8600;
	s1 =	sld [smem:$0x7FD];
	v9 =	vadd.s32 v2, v9  }
0x5b: {  	[tilespmem:s24], [sflag:$0x1] =	stream.indirect_vreg.gather [hbm4b:s2+s5], $0x80, v12, vm0, $0xb8;
	[tilespmem:$0x1B600] =	vst v63  }
0x5c: {  	s7 =	simm.s32 $0x8E00  }
0x5d: {  	[tilespmem:s7], [sflag:$0x1] =	stream.indirect_vreg.gather [hbm4b:s1+s5], $0x80, v12, vm0, $0xb8;
	[tilespmem:$0x1B600] =	vst v63  }
0x5e: {  	s25 =	simm.s32 $0x9600  }
0x5f: {  	[tilespmem:s25], [sflag:$0x1] =	stream.indirect_vreg.gather [hbm4b:s10+s5], $0x80, v9, vm0, $0xb8;
	[tilespmem:$0x1B600] =	vst v63  }
0x60: {  	s0 =	simm.s32 $0x9E00  }
0x61: {  	[tilespmem:s0], [sflag:$0x1] =	stream.indirect_vreg.gather [hbm4b:s12+s5], $0x80, v9, vm0, $0xb8;
	[tilespmem:$0x1B600] =	vst v63  }
0x62: {  	s8 =	simm.s32 $0xA600  }
0x63: {  	[tilespmem:s8], [sflag:$0x1] =	stream.indirect_vreg.gather [hbm4b:s13+s5], $0x80, v9, vm0, $0xb8;
	[tilespmem:$0x1B600] =	vst v63  }
0x64: {  	s11 =	simm.s32 $0xAE00  }
0x65: {  	[tilespmem:s11], [sflag:$0x1] =	stream.indirect_vreg.gather [hbm4b:s26+s5], $0x80, v9, vm0, $0xb8;
	[tilespmem:$0x1B600] =	vst v63  }
0x66: {  	s14 =	simm.s32 $0xB600  }
0x67: {  	[tilespmem:s14], [sflag:$0x1] =	stream.indirect_vreg.gather [hbm4b:s28+s5], $0x80, v9, vm0, $0xb8;
	[tilespmem:$0x1B600] =	vst v63  }
0x68: {  	s15 =	simm.s32 $0xBE00  }
0x69: {  	[tilespmem:s15], [sflag:$0x1] =	stream.indirect_vreg.gather [hbm4b:s29+s5], $0x80, v9, vm0, $0xb8;
	[tilespmem:$0x1B600] =	vst v63  }
0x6a: {  	s17 =	simm.s32 $0xC600  }
0x6b: {  	[tilespmem:s17], [sflag:$0x1] =	stream.indirect_vreg.gather [hbm4b:s30+s5], $0x80, v9, vm0, $0xb8;
	[tilespmem:$0x1B600] =	vst v63  }
0x6c: {  	v44 =	vshrl.u32 v10, $0x3;
	s18 =	simm.s32 $0xCE00  }
0x6d: {  	v12 =	vmul.u32 $0xC0, v44;
	[tilespmem:s18], [sflag:$0x1] =	stream.indirect_vreg.gather [hbm4b:s31+s5], $0x80, v9, vm0, $0xb8;
	[tilespmem:$0x1B600] =	vst v63  }
0x6e: {  	v10 =	vand.u32 $0x7, v10;
	s19 =	simm.s32 $0xD600  }
0x6f: {  	v10 =	vor.u32 v10, v12;
	[tilespmem:s19], [sflag:$0x1] =	stream.indirect_vreg.gather [hbm4b:s9+s5], $0x80, v9, vm0, $0xb8;
	[tilespmem:$0x1B600] =	vst v63  }
0x70: {  	s20 =	simm.s32 $0xDE00;
	v12 =	vperm.xlane v10, v1  }
0x71: {  	[tilespmem:s20], [sflag:$0x1] =	stream.indirect_vreg.gather [hbm4b:s4+s5], $0x80, v9, vm0, $0xb8;
	[tilespmem:$0x1B600] =	vst v63  }
0x72: {  	s21 =	simm.s32 $0xE600;
	v12 =	vadd.s32 v2, v12  }
0x73: {  	[tilespmem:s21], [sflag:$0x1] =	stream.indirect_vreg.gather [hbm4b:s2+s5], $0x80, v9, vm0, $0xb8;
	[tilespmem:$0x1B600] =	vst v63  }
0x74: {  	s22 =	simm.s32 $0xEE00  }
0x75: {  	[tilespmem:s22], [sflag:$0x1] =	stream.indirect_vreg.gather [hbm4b:s1+s5], $0x80, v9, vm0, $0xb8;
	[tilespmem:$0x1B600] =	vst v63  }
0x76: {  	s8 =	simm.s32 $0xF600  }
0x77: {  	[tilespmem:s8], [sflag:$0x2] =	stream.indirect_vreg.gather [hbm4b:s10+s5], $0x80, v12, vm0, $0xb8;
	[tilespmem:$0x1B600] =	vst v63  }
0x78: {  	s23 =	simm.s32 $0xFE00  }
0x79: {  	[tilespmem:s23], [sflag:$0x2] =	stream.indirect_vreg.gather [hbm4b:s12+s5], $0x80, v12, vm0, $0xb8;
	[tilespmem:$0x1B600] =	vst v63  }
0x7a: {  	s24 =	simm.s32 $0x10600  }
0x7b: {  	[tilespmem:s24], [sflag:$0x2] =	stream.indirect_vreg.gather [hbm4b:s13+s5], $0x80, v12, vm0, $0xb8;
	[tilespmem:$0x1B600] =	vst v63  }
0x7c: {  	s25 =	simm.s32 $0x10E00  }
0x7d: {  	[tilespmem:s25], [sflag:$0x2] =	stream.indirect_vreg.gather [hbm4b:s26+s5], $0x80, v12, vm0, $0xb8;
	[tilespmem:$0x1B600] =	vst v63  }
0x7e: {  	s0 =	simm.s32 $0x11600  }
0x7f: {  	[tilespmem:s0], [sflag:$0x2] =	stream.indirect_vreg.gather [hbm4b:s28+s5], $0x80, v12, vm0, $0xb8;
	[tilespmem:$0x1B600] =	vst v63  }
0x80: {  	s7 =	simm.s32 $0x11E00  }
0x81: {  	[tilespmem:s7], [sflag:$0x2] =	stream.indirect_vreg.gather [hbm4b:s29+s5], $0x80, v12, vm0, $0xb8;
	[tilespmem:$0x1B600] =	vst v63  }
0x82: {  	s11 =	simm.s32 $0x12600  }
0x83: {  	[tilespmem:s11], [sflag:$0x2] =	stream.indirect_vreg.gather [hbm4b:s30+s5], $0x80, v12, vm0, $0xb8;
	[tilespmem:$0x1B600] =	vst v63  }
0x84: {  	s14 =	simm.s32 $0x12E00  }
0x85: {  	[tilespmem:s14], [sflag:$0x2] =	stream.indirect_vreg.gather [hbm4b:s31+s5], $0x80, v12, vm0, $0xb8;
	[tilespmem:$0x1B600] =	vst v63  }
0x86: {  	s15 =	simm.s32 $0x13600  }
0x87: {  	[tilespmem:s15], [sflag:$0x2] =	stream.indirect_vreg.gather [hbm4b:s9+s5], $0x80, v12, vm0, $0xb8;
	[tilespmem:$0x1B600] =	vst v63  }
0x88: {  	v45 =	vperm.xlane v10, v3;
	s17 =	simm.s32 $0x13E00  }
0x89: {  	[tilespmem:s17], [sflag:$0x2] =	stream.indirect_vreg.gather [hbm4b:s4+s5], $0x80, v12, vm0, $0xb8;
	[tilespmem:$0x1B600] =	vst v63  }
0x8a: {  	s18 =	simm.s32 $0x14600;
	v9 =	vadd.s32 v2, v45  }
0x8b: {  	[tilespmem:s18], [sflag:$0x2] =	stream.indirect_vreg.gather [hbm4b:s2+s5], $0x80, v12, vm0, $0xb8;
	[tilespmem:$0x1B600] =	vst v63  }
0x8c: {  	s19 =	simm.s32 $0x14E00  }
0x8d: {  	[tilespmem:s19], [sflag:$0x2] =	stream.indirect_vreg.gather [hbm4b:s1+s5], $0x80, v12, vm0, $0xb8;
	[tilespmem:$0x1B600] =	vst v63  }
0x8e: {  	s20 =	simm.s32 $0x15600  }
0x8f: {  	[tilespmem:s20], [sflag:$0x2] =	stream.indirect_vreg.gather [hbm4b:s10+s5], $0x80, v9, vm0, $0xb8;
	[tilespmem:$0x1B600] =	vst v63  }
0x90: {  	s21 =	simm.s32 $0x15E00  }
0x91: {  	[tilespmem:s21], [sflag:$0x2] =	stream.indirect_vreg.gather [hbm4b:s12+s5], $0x80, v9, vm0, $0xb8;
	[tilespmem:$0x1B600] =	vst v63  }
0x92: {  	s22 =	simm.s32 $0x16600  }
0x93: {  	[tilespmem:s22], [sflag:$0x2] =	stream.indirect_vreg.gather [hbm4b:s13+s5], $0x80, v9, vm0, $0xb8;
	[tilespmem:$0x1B600] =	vst v63  }
0x94: {  	s23 =	simm.s32 $0x16E00  }
0x95: {  	[tilespmem:s23], [sflag:$0x2] =	stream.indirect_vreg.gather [hbm4b:s26+s5], $0x80, v9, vm0, $0xb8;
	[tilespmem:$0x1B600] =	vst v63  }
0x96: {  	s24 =	simm.s32 $0x17600  }
0x97: {  	[tilespmem:s24], [sflag:$0x2] =	stream.indirect_vreg.gather [hbm4b:s28+s5], $0x80, v9, vm0, $0xb8;
	[tilespmem:$0x1B600] =	vst v63  }
0x98: {  	s25 =	simm.s32 $0x17E00  }
0x99: {  	[tilespmem:s25], [sflag:$0x2] =	stream.indirect_vreg.gather [hbm4b:s29+s5], $0x80, v9, vm0, $0xb8;
	[tilespmem:$0x1B600] =	vst v63  }
0x9a: {  	s0 =	simm.s32 $0x18600  }
0x9b: {  	[tilespmem:s0], [sflag:$0x2] =	stream.indirect_vreg.gather [hbm4b:s30+s5], $0x80, v9, vm0, $0xb8;
	[tilespmem:$0x1B600] =	vst v63  }
0x9c: {  	s7 =	simm.s32 $0x18E00  }
0x9d: {  	[tilespmem:s7], [sflag:$0x2] =	stream.indirect_vreg.gather [hbm4b:s31+s5], $0x80, v9, vm0, $0xb8;
	[tilespmem:$0x1B600] =	vst v63  }
0x9e: {  	s10 =	simm.s32 $0x19600  }
0x9f: {  	[tilespmem:s10], [sflag:$0x2] =	stream.indirect_vreg.gather [hbm4b:s9+s5], $0x80, v9, vm0, $0xb8;
	[tilespmem:$0x1B600] =	vst v63  }
0xa0: {  	s11 =	simm.s32 $0x19E00  }
0xa1: {  	[tilespmem:s11], [sflag:$0x2] =	stream.indirect_vreg.gather [hbm4b:s4+s5], $0x80, v9, vm0, $0xb8;
	[tilespmem:$0x1B600] =	vst v63  }
0xa2: {  	s14 =	simm.s32 $0x1A600  }
0xa3: {  	[tilespmem:s14], [sflag:$0x2] =	stream.indirect_vreg.gather [hbm4b:s2+s5], $0x80, v9, vm0, $0xb8;
	[tilespmem:$0x1B600] =	vst v63  }
0xa4: {  	s15 =	simm.s32 $0x1AE00;
	s17 =	simm.s32 $0x1  }
0xa5: {  	[tilespmem:s15], [sflag:$0x2] =	stream.indirect_vreg.gather [hbm4b:s1+s5], $0x80, v9, vm0, $0xb8;
	[tilespmem:$0x1B600] =	vst v63  }
0xa6: {  	_ =	swait.ge [sflag:s17], $0xC000  }
0xa7: {  	[sflag:s17] =	ssyncset.done $0x0  }
0xa8: {  	[sflag:s17] =	ssyncadd.s32 $0xFFFF4000  }
0xa9: {  	v46 =	vld [tilespmem:$0x3200];
	_ =	sdelay $0x4  }
0xaa: {  	v47 =	vshrl.u32 v46, $0x3  }
0xab: {  	v10 =	vmul.u32 $0xC0, v47  }
0xac: {  	v9 =	vand.u32 $0x7, v46  }
0xad: {  	v9 =	vor.u32 v9, v10  }
0xae: {  	v10 =	vperm.xlane v9, v1;
	_ =	sdelay $0x1  }
0xaf: {  	v10 =	vadd.s32 v2, v10;
	_ =	sdelay $0x3  }
0xb0: {  	s18 =	simm.s32 $0x3600;
	s11 =	rddreg [dreg:$0xc]  }
0xb1: {  	[hbm4b:s11+s5] =	stream.indirect_vreg.scatter [tilespmem:s18], [sflag:$0x3], $0x80, v10, vm0, $0xb8;
	[tilespmem:$0x1B600] =	vst v63  }
0xb2: {  	s19 =	simm.s32 $0x3E00;
	s14 =	rddreg [dreg:$0xf]  }
0xb3: {  	[hbm4b:s14+s5] =	stream.indirect_vreg.scatter [tilespmem:s19], [sflag:$0x3], $0x80, v10, vm0, $0xb8;
	[tilespmem:$0x1B600] =	vst v63  }
0xb4: {  	s16 =	simm.s32 $0x4600;
	s15 =	rddreg [dreg:$0x10]  }
0xb5: {  	[hbm4b:s15+s5] =	stream.indirect_vreg.scatter [tilespmem:s16], [sflag:$0x3], $0x80, v10, vm0, $0xb8;
	[tilespmem:$0x1B600] =	vst v63  }
0xb6: {  	s20 =	simm.s32 $0x4E00;
	s16 =	rddreg [dreg:$0x11]  }
0xb7: {  	[hbm4b:s16+s5] =	stream.indirect_vreg.scatter [tilespmem:s20], [sflag:$0x3], $0x80, v10, vm0, $0xb8;
	[tilespmem:$0x1B600] =	vst v63  }
0xb8: {  	s24 =	simm.s32 $0x5600;
	s17 =	rddreg [dreg:$0x12]  }
0xb9: {  	[hbm4b:s17+s5] =	stream.indirect_vreg.scatter [tilespmem:s24], [sflag:$0x3], $0x80, v10, vm0, $0xb8;
	[tilespmem:$0x1B600] =	vst v63  }
0xba: {  	s21 =	simm.s32 $0x5E00;
	s18 =	rddreg [dreg:$0x13]  }
0xbb: {  	[hbm4b:s18+s5] =	stream.indirect_vreg.scatter [tilespmem:s21], [sflag:$0x3], $0x80, v10, vm0, $0xb8;
	[tilespmem:$0x1B600] =	vst v63  }
0xbc: {  	s22 =	simm.s32 $0x6600;
	s19 =	rddreg [dreg:$0x14]  }
0xbd: {  	[hbm4b:s19+s5] =	stream.indirect_vreg.scatter [tilespmem:s22], [sflag:$0x3], $0x80, v10, vm0, $0xb8;
	[tilespmem:$0x1B600] =	vst v63  }
0xbe: {  	s23 =	simm.s32 $0x6E00;
	s20 =	rddreg [dreg:$0x15]  }
0xbf: {  	[hbm4b:s20+s5] =	stream.indirect_vreg.scatter [tilespmem:s23], [sflag:$0x3], $0x80, v10, vm0, $0xb8;
	[tilespmem:$0x1B600] =	vst v63  }
0xc0: {  	s25 =	simm.s32 $0x7600;
	s21 =	rddreg [dreg:$0x16]  }
0xc1: {  	[hbm4b:s21+s5] =	stream.indirect_vreg.scatter [tilespmem:s25], [sflag:$0x3], $0x80, v10, vm0, $0xb8;
	[tilespmem:$0x1B600] =	vst v63  }
0xc2: {  	s7 =	simm.s32 $0x7E00;
	v9 =	vperm.xlane v9, v3;
	s22 =	rddreg [dreg:$0x17]  }
0xc3: {  	[hbm4b:s22+s5] =	stream.indirect_vreg.scatter [tilespmem:s7], [sflag:$0x3], $0x80, v10, vm0, $0xb8;
	[tilespmem:$0x1B600] =	vst v63  }
0xc4: {  	s8 =	simm.s32 $0x8600;
	v9 =	vadd.s32 v2, v9;
	s23 =	rddreg [dreg:$0x18]  }
0xc5: {  	[hbm4b:s23+s5] =	stream.indirect_vreg.scatter [tilespmem:s8], [sflag:$0x3], $0x80, v10, vm0, $0xb8;
	[tilespmem:$0x1B600] =	vst v63  }
0xc6: {  	s10 =	simm.s32 $0x8E00;
	s25 =	rddreg [dreg:$0x19]  }
0xc7: {  	[hbm4b:s25+s5] =	stream.indirect_vreg.scatter [tilespmem:s10], [sflag:$0x3], $0x80, v10, vm0, $0xb8;
	[tilespmem:$0x1B600] =	vst v63  }
0xc8: {  	s7 =	simm.s32 $0x9600  }
0xc9: {  	[hbm4b:s11+s5] =	stream.indirect_vreg.scatter [tilespmem:s7], [sflag:$0x3], $0x80, v9, vm0, $0xb8;
	[tilespmem:$0x1B600] =	vst v63  }
0xca: {  	s8 =	simm.s32 $0x9E00  }
0xcb: {  	[hbm4b:s14+s5] =	stream.indirect_vreg.scatter [tilespmem:s8], [sflag:$0x3], $0x80, v9, vm0, $0xb8;
	[tilespmem:$0x1B600] =	vst v63  }
0xcc: {  	s10 =	simm.s32 $0xA600  }
0xcd: {  	[hbm4b:s15+s5] =	stream.indirect_vreg.scatter [tilespmem:s10], [sflag:$0x3], $0x80, v9, vm0, $0xb8;
	[tilespmem:$0x1B600] =	vst v63  }
0xce: {  	s7 =	simm.s32 $0xAE00  }
0xcf: {  	[hbm4b:s16+s5] =	stream.indirect_vreg.scatter [tilespmem:s7], [sflag:$0x3], $0x80, v9, vm0, $0xb8;
	[tilespmem:$0x1B600] =	vst v63  }
0xd0: {  	s8 =	simm.s32 $0xB600  }
0xd1: {  	[hbm4b:s17+s5] =	stream.indirect_vreg.scatter [tilespmem:s8], [sflag:$0x3], $0x80, v9, vm0, $0xb8;
	[tilespmem:$0x1B600] =	vst v63  }
0xd2: {  	s10 =	simm.s32 $0xBE00  }
0xd3: {  	[hbm4b:s18+s5] =	stream.indirect_vreg.scatter [tilespmem:s10], [sflag:$0x3], $0x80, v9, vm0, $0xb8;
	[tilespmem:$0x1B600] =	vst v63  }
0xd4: {  	s7 =	simm.s32 $0xC600  }
0xd5: {  	[hbm4b:s19+s5] =	stream.indirect_vreg.scatter [tilespmem:s7], [sflag:$0x3], $0x80, v9, vm0, $0xb8;
	[tilespmem:$0x1B600] =	vst v63  }
0xd6: {  	s8 =	simm.s32 $0xCE00  }
0xd7: {  	[hbm4b:s20+s5] =	stream.indirect_vreg.scatter [tilespmem:s8], [sflag:$0x3], $0x80, v9, vm0, $0xb8;
	[tilespmem:$0x1B600] =	vst v63  }
0xd8: {  	s0 =	simm.s32 $0xD600  }
0xd9: {  	[hbm4b:s21+s5] =	stream.indirect_vreg.scatter [tilespmem:s0], [sflag:$0x3], $0x80, v9, vm0, $0xb8;
	[tilespmem:$0x1B600] =	vst v63  }
0xda: {  	v48 =	vshrl.u32 v11, $0x3;
	s8 =	simm.s32 $0xDE00  }
0xdb: {  	v10 =	vmul.u32 $0xC0, v48;
	[hbm4b:s22+s5] =	stream.indirect_vreg.scatter [tilespmem:s8], [sflag:$0x3], $0x80, v9, vm0, $0xb8;
	[tilespmem:$0x1B600] =	vst v63  }
0xdc: {  	v11 =	vand.u32 $0x7, v11;
	s10 =	simm.s32 $0xE600  }
0xdd: {  	v10 =	vor.u32 v11, v10;
	[hbm4b:s23+s5] =	stream.indirect_vreg.scatter [tilespmem:s10], [sflag:$0x3], $0x80, v9, vm0, $0xb8;
	[tilespmem:$0x1B600] =	vst v63  }
0xde: {  	v11 =	vperm.xlane v10, v1;
	s10 =	simm.s32 $0xEE00  }
0xdf: {  	[hbm4b:s25+s5] =	stream.indirect_vreg.scatter [tilespmem:s10], [sflag:$0x3], $0x80, v9, vm0, $0xb8;
	[tilespmem:$0x1B600] =	vst v63  }
0xe0: {  	v11 =	vadd.s32 v2, v11;
	s10 =	simm.s32 $0x3  }
0xe1: {  	_ =	swait.ge [sflag:s10], $0xC000  }
0xe2: {  	[sflag:s10] =	ssyncset.done $0x0  }
0xe3: {  	[sflag:s10] =	ssyncadd.s32 $0xFFFF4000  }
0xe4: {  	s10 =	simm.s32 $0x3600;
	s7 =	rddreg [dreg:$0x0]  }
0xe5: {  	[tilespmem:s10], [sflag:$0x1] =	stream.indirect_vreg.gather [hbm4b:s7+s5], $0x80, v11, vm0, $0xb8;
	[tilespmem:$0x1B600] =	vst v63  }
0xe6: {  	s10 =	simm.s32 $0x3E00  }
0xe7: {  	[tilespmem:s10], [sflag:$0x1] =	stream.indirect_vreg.gather [hbm4b:s12+s5], $0x80, v11, vm0, $0xb8;
	[tilespmem:$0x1B600] =	vst v63  }
0xe8: {  	s10 =	simm.s32 $0x4600  }
0xe9: {  	[tilespmem:s10], [sflag:$0x1] =	stream.indirect_vreg.gather [hbm4b:s13+s5], $0x80, v11, vm0, $0xb8;
	[tilespmem:$0x1B600] =	vst v63  }
0xea: {  	s10 =	simm.s32 $0x4E00  }
0xeb: {  	[tilespmem:s10], [sflag:$0x1] =	stream.indirect_vreg.gather [hbm4b:s26+s5], $0x80, v11, vm0, $0xb8;
	[tilespmem:$0x1B600] =	vst v63  }
0xec: {  	_ = 	snop  }
0xed: {  	[tilespmem:s24], [sflag:$0x1] =	stream.indirect_vreg.gather [hbm4b:s28+s5], $0x80, v11, vm0, $0xb8;
	[tilespmem:$0x1B600] =	vst v63  }
0xee: {  	s24 =	simm.s32 $0x5E00  }
0xef: {  	[tilespmem:s24], [sflag:$0x1] =	stream.indirect_vreg.gather [hbm4b:s29+s5], $0x80, v11, vm0, $0xb8;
	[tilespmem:$0x1B600] =	vst v63  }
0xf0: {  	s24 =	simm.s32 $0x6600  }
0xf1: {  	[tilespmem:s24], [sflag:$0x1] =	stream.indirect_vreg.gather [hbm4b:s30+s5], $0x80, v11, vm0, $0xb8;
	[tilespmem:$0x1B600] =	vst v63  }
0xf2: {  	s24 =	simm.s32 $0x6E00  }
0xf3: {  	[tilespmem:s24], [sflag:$0x1] =	stream.indirect_vreg.gather [hbm4b:s31+s5], $0x80, v11, vm0, $0xb8;
	[tilespmem:$0x1B600] =	vst v63  }
0xf4: {  	s24 =	simm.s32 $0x7600  }
0xf5: {  	[tilespmem:s24], [sflag:$0x1] =	stream.indirect_vreg.gather [hbm4b:s9+s5], $0x80, v11, vm0, $0xb8;
	[tilespmem:$0x1B600] =	vst v63  }
0xf6: {  	v49 =	vperm.xlane v10, v3;
	s24 =	simm.s32 $0x7E00  }
0xf7: {  	[tilespmem:s24], [sflag:$0x1] =	stream.indirect_vreg.gather [hbm4b:s4+s5], $0x80, v11, vm0, $0xb8;
	[tilespmem:$0x1B600] =	vst v63  }
0xf8: {  	v9 =	vadd.s32 v2, v49;
	s24 =	simm.s32 $0x8600  }
0xf9: {  	[tilespmem:s24], [sflag:$0x1] =	stream.indirect_vreg.gather [hbm4b:s2+s5], $0x80, v11, vm0, $0xb8;
	[tilespmem:$0x1B600] =	vst v63  }
0xfa: {  	s24 =	simm.s32 $0x8E00  }
0xfb: {  	[tilespmem:s24], [sflag:$0x1] =	stream.indirect_vreg.gather [hbm4b:s1+s5], $0x80, v11, vm0, $0xb8;
	[tilespmem:$0x1B600] =	vst v63  }
0xfc: {  	s24 =	simm.s32 $0x9600  }
0xfd: {  	[tilespmem:s24], [sflag:$0x1] =	stream.indirect_vreg.gather [hbm4b:s7+s5], $0x80, v9, vm0, $0xb8;
	[tilespmem:$0x1B600] =	vst v63  }
0xfe: {  	s24 =	simm.s32 $0x9E00  }
0xff: {  	[tilespmem:s24], [sflag:$0x1] =	stream.indirect_vreg.gather [hbm4b:s12+s5], $0x80, v9, vm0, $0xb8;
	[tilespmem:$0x1B600] =	vst v63  }
0x100: {  	s10 =	simm.s32 $0xA600  }
0x101: {  	[tilespmem:s10], [sflag:$0x1] =	stream.indirect_vreg.gather [hbm4b:s13+s5], $0x80, v9, vm0, $0xb8;
	[tilespmem:$0x1B600] =	vst v63  }
0x102: {  	s24 =	simm.s32 $0xAE00  }
0x103: {  	[tilespmem:s24], [sflag:$0x1] =	stream.indirect_vreg.gather [hbm4b:s26+s5], $0x80, v9, vm0, $0xb8;
	[tilespmem:$0x1B600] =	vst v63  }
0x104: {  	s10 =	simm.s32 $0xB600  }
0x105: {  	[tilespmem:s10], [sflag:$0x1] =	stream.indirect_vreg.gather [hbm4b:s28+s5], $0x80, v9, vm0, $0xb8;
	[tilespmem:$0x1B600] =	vst v63  }
0x106: {  	s24 =	simm.s32 $0xBE00  }
0x107: {  	[tilespmem:s24], [sflag:$0x1] =	stream.indirect_vreg.gather [hbm4b:s29+s5], $0x80, v9, vm0, $0xb8;
	[tilespmem:$0x1B600] =	vst v63  }
0x108: {  	s10 =	simm.s32 $0xC600  }
0x109: {  	[tilespmem:s10], [sflag:$0x1] =	stream.indirect_vreg.gather [hbm4b:s30+s5], $0x80, v9, vm0, $0xb8;
	[tilespmem:$0x1B600] =	vst v63  }
0x10a: {  	s24 =	simm.s32 $0xCE00  }
0x10b: {  	[tilespmem:s24], [sflag:$0x1] =	stream.indirect_vreg.gather [hbm4b:s31+s5], $0x80, v9, vm0, $0xb8;
	[tilespmem:$0x1B600] =	vst v63  }
0x10c: {  	_ = 	snop  }
0x10d: {  	[tilespmem:s0], [sflag:$0x1] =	stream.indirect_vreg.gather [hbm4b:s9+s5], $0x80, v9, vm0, $0xb8;
	[tilespmem:$0x1B600] =	vst v63  }
0x10e: {  	_ = 	snop  }
0x10f: {  	[tilespmem:s8], [sflag:$0x1] =	stream.indirect_vreg.gather [hbm4b:s4+s5], $0x80, v9, vm0, $0xb8;
	[tilespmem:$0x1B600] =	vst v63  }
0x110: {  	s10 =	simm.s32 $0xE600  }
0x111: {  	[tilespmem:s10], [sflag:$0x1] =	stream.indirect_vreg.gather [hbm4b:s2+s5], $0x80, v9, vm0, $0xb8;
	[tilespmem:$0x1B600] =	vst v63  }
0x112: {  	s24 =	simm.s32 $0xEE00;
	s0 =	simm.s32 $0x2  }
0x113: {  	[tilespmem:s24], [sflag:$0x1] =	stream.indirect_vreg.gather [hbm4b:s1+s5], $0x80, v9, vm0, $0xb8;
	[tilespmem:$0x1B600] =	vst v63  }
0x114: {  	_ =	swait.ge [sflag:s0], $0xC000  }
0x115: {  	[sflag:s0] =	ssyncset.done $0x0  }
0x116: {  	[sflag:s0] =	ssyncadd.s32 $0xFFFF4000  }
0x117: {  	v50 =	vld [tilespmem:$0x3280];
	_ =	sdelay $0x4  }
0x118: {  	v51 =	vshrl.u32 v50, $0x3  }
0x119: {  	v10 =	vmul.u32 $0xC0, v51  }
0x11a: {  	v9 =	vand.u32 $0x7, v50  }
0x11b: {  	v9 =	vor.u32 v9, v10  }
0x11c: {  	v10 =	vperm.xlane v9, v1;
	_ =	sdelay $0x1  }
0x11d: {  	v10 =	vadd.s32 v2, v10;
	_ =	sdelay $0x3  }
0x11e: {  	s24 =	simm.s32 $0xF600  }
0x11f: {  	[hbm4b:s11+s5] =	stream.indirect_vreg.scatter [tilespmem:s24], [sflag:$0x4], $0x80, v10, vm0, $0xb8;
	[tilespmem:$0x1B600] =	vst v63  }
0x120: {  	s8 =	simm.s32 $0xFE00  }
0x121: {  	[hbm4b:s14+s5] =	stream.indirect_vreg.scatter [tilespmem:s8], [sflag:$0x4], $0x80, v10, vm0, $0xb8;
	[tilespmem:$0x1B600] =	vst v63  }
0x122: {  	s10 =	simm.s32 $0x10600  }
0x123: {  	[hbm4b:s15+s5] =	stream.indirect_vreg.scatter [tilespmem:s10], [sflag:$0x4], $0x80, v10, vm0, $0xb8;
	[tilespmem:$0x1B600] =	vst v63  }
0x124: {  	s7 =	simm.s32 $0x10E00  }
0x125: {  	[hbm4b:s16+s5] =	stream.indirect_vreg.scatter [tilespmem:s7], [sflag:$0x4], $0x80, v10, vm0, $0xb8;
	[tilespmem:$0x1B600] =	vst v63  }
0x126: {  	s8 =	simm.s32 $0x11600  }
0x127: {  	[hbm4b:s17+s5] =	stream.indirect_vreg.scatter [tilespmem:s8], [sflag:$0x4], $0x80, v10, vm0, $0xb8;
	[tilespmem:$0x1B600] =	vst v63  }
0x128: {  	s10 =	simm.s32 $0x11E00  }
0x129: {  	[hbm4b:s18+s5] =	stream.indirect_vreg.scatter [tilespmem:s10], [sflag:$0x4], $0x80, v10, vm0, $0xb8;
	[tilespmem:$0x1B600] =	vst v63  }
0x12a: {  	s7 =	simm.s32 $0x12600  }
0x12b: {  	[hbm4b:s19+s5] =	stream.indirect_vreg.scatter [tilespmem:s7], [sflag:$0x4], $0x80, v10, vm0, $0xb8;
	[tilespmem:$0x1B600] =	vst v63  }
0x12c: {  	s8 =	simm.s32 $0x12E00  }
0x12d: {  	[hbm4b:s20+s5] =	stream.indirect_vreg.scatter [tilespmem:s8], [sflag:$0x4], $0x80, v10, vm0, $0xb8;
	[tilespmem:$0x1B600] =	vst v63  }
0x12e: {  	s10 =	simm.s32 $0x13600  }
0x12f: {  	[hbm4b:s21+s5] =	stream.indirect_vreg.scatter [tilespmem:s10], [sflag:$0x4], $0x80, v10, vm0, $0xb8;
	[tilespmem:$0x1B600] =	vst v63  }
0x130: {  	v9 =	vperm.xlane v9, v3;
	s7 =	simm.s32 $0x13E00  }
0x131: {  	[hbm4b:s22+s5] =	stream.indirect_vreg.scatter [tilespmem:s7], [sflag:$0x4], $0x80, v10, vm0, $0xb8;
	[tilespmem:$0x1B600] =	vst v63  }
0x132: {  	v9 =	vadd.s32 v2, v9;
	s8 =	simm.s32 $0x14600  }
0x133: {  	[hbm4b:s23+s5] =	stream.indirect_vreg.scatter [tilespmem:s8], [sflag:$0x4], $0x80, v10, vm0, $0xb8;
	[tilespmem:$0x1B600] =	vst v63  }
0x134: {  	s10 =	simm.s32 $0x14E00  }
0x135: {  	[hbm4b:s25+s5] =	stream.indirect_vreg.scatter [tilespmem:s10], [sflag:$0x4], $0x80, v10, vm0, $0xb8;
	[tilespmem:$0x1B600] =	vst v63  }
0x136: {  	s7 =	simm.s32 $0x15600  }
0x137: {  	[hbm4b:s11+s5] =	stream.indirect_vreg.scatter [tilespmem:s7], [sflag:$0x4], $0x80, v9, vm0, $0xb8;
	[tilespmem:$0x1B600] =	vst v63  }
0x138: {  	s8 =	simm.s32 $0x15E00  }
0x139: {  	[hbm4b:s14+s5] =	stream.indirect_vreg.scatter [tilespmem:s8], [sflag:$0x4], $0x80, v9, vm0, $0xb8;
	[tilespmem:$0x1B600] =	vst v63  }
0x13a: {  	s10 =	simm.s32 $0x16600  }
0x13b: {  	[hbm4b:s15+s5] =	stream.indirect_vreg.scatter [tilespmem:s10], [sflag:$0x4], $0x80, v9, vm0, $0xb8;
	[tilespmem:$0x1B600] =	vst v63  }
0x13c: {  	s7 =	simm.s32 $0x16E00  }
0x13d: {  	[hbm4b:s16+s5] =	stream.indirect_vreg.scatter [tilespmem:s7], [sflag:$0x4], $0x80, v9, vm0, $0xb8;
	[tilespmem:$0x1B600] =	vst v63  }
0x13e: {  	s8 =	simm.s32 $0x17600  }
0x13f: {  	[hbm4b:s17+s5] =	stream.indirect_vreg.scatter [tilespmem:s8], [sflag:$0x4], $0x80, v9, vm0, $0xb8;
	[tilespmem:$0x1B600] =	vst v63  }
0x140: {  	s10 =	simm.s32 $0x17E00  }
0x141: {  	[hbm4b:s18+s5] =	stream.indirect_vreg.scatter [tilespmem:s10], [sflag:$0x4], $0x80, v9, vm0, $0xb8;
	[tilespmem:$0x1B600] =	vst v63  }
0x142: {  	s7 =	simm.s32 $0x18600  }
0x143: {  	[hbm4b:s19+s5] =	stream.indirect_vreg.scatter [tilespmem:s7], [sflag:$0x4], $0x80, v9, vm0, $0xb8;
	[tilespmem:$0x1B600] =	vst v63  }
0x144: {  	s8 =	simm.s32 $0x18E00  }
0x145: {  	[hbm4b:s20+s5] =	stream.indirect_vreg.scatter [tilespmem:s8], [sflag:$0x4], $0x80, v9, vm0, $0xb8;
	[tilespmem:$0x1B600] =	vst v63  }
0x146: {  	s10 =	simm.s32 $0x19600  }
0x147: {  	v52 =	vshrl.u32 v8, $0x3;
	[hbm4b:s21+s5] =	stream.indirect_vreg.scatter [tilespmem:s10], [sflag:$0x4], $0x80, v9, vm0, $0xb8;
	[tilespmem:$0x1B600] =	vst v63  }
0x148: {  	v10 =	vmul.u32 $0xC0, v52;
	s10 =	simm.s32 $0x19E00  }
0x149: {  	v8 =	vand.u32 $0x7, v8;
	[hbm4b:s22+s5] =	stream.indirect_vreg.scatter [tilespmem:s10], [sflag:$0x4], $0x80, v9, vm0, $0xb8;
	[tilespmem:$0x1B600] =	vst v63  }
0x14a: {  	v8 =	vor.u32 v8, v10;
	s8 =	simm.s32 $0x1A600  }
0x14b: {  	v10 =	vperm.xlane v8, v1;
	[hbm4b:s23+s5] =	stream.indirect_vreg.scatter [tilespmem:s8], [sflag:$0x4], $0x80, v9, vm0, $0xb8;
	[tilespmem:$0x1B600] =	vst v63  }
0x14c: {  	s0 =	simm.s32 $0x4;
	s7 =	simm.s32 $0x1AE00  }
0x14d: {  	v10 =	vadd.s32 v2, v10;
	[hbm4b:s25+s5] =	stream.indirect_vreg.scatter [tilespmem:s7], [sflag:$0x4], $0x80, v9, vm0, $0xb8;
	[tilespmem:$0x1B600] =	vst v63  }
0x14e: {  	_ =	swait.ge [sflag:s0], $0xC000  }
0x14f: {  	[sflag:s0] =	ssyncset.done $0x0  }
0x150: {  	[sflag:s0] =	ssyncadd.s32 $0xFFFF4000  }
0x151: {  	s0 =	rddreg [dreg:$0x0]  }
0x152: {  	[tilespmem:s24], [sflag:$0x2] =	stream.indirect_vreg.gather [hbm4b:s0+s5], $0x80, v10, vm0, $0xb8;
	[tilespmem:$0x1B600] =	vst v63  }
0x153: {  	s24 =	simm.s32 $0xFE00  }
0x154: {  	[tilespmem:s24], [sflag:$0x2] =	stream.indirect_vreg.gather [hbm4b:s12+s5], $0x80, v10, vm0, $0xb8;
	[tilespmem:$0x1B600] =	vst v63  }
0x155: {  	s24 =	simm.s32 $0x10600  }
0x156: {  	[tilespmem:s24], [sflag:$0x2] =	stream.indirect_vreg.gather [hbm4b:s13+s5], $0x80, v10, vm0, $0xb8;
	[tilespmem:$0x1B600] =	vst v63  }
0x157: {  	s24 =	simm.s32 $0x10E00  }
0x158: {  	[tilespmem:s24], [sflag:$0x2] =	stream.indirect_vreg.gather [hbm4b:s26+s5], $0x80, v10, vm0, $0xb8;
	[tilespmem:$0x1B600] =	vst v63  }
0x159: {  	s24 =	simm.s32 $0x11600  }
0x15a: {  	[tilespmem:s24], [sflag:$0x2] =	stream.indirect_vreg.gather [hbm4b:s28+s5], $0x80, v10, vm0, $0xb8;
	[tilespmem:$0x1B600] =	vst v63  }
0x15b: {  	s24 =	simm.s32 $0x11E00  }
0x15c: {  	[tilespmem:s24], [sflag:$0x2] =	stream.indirect_vreg.gather [hbm4b:s29+s5], $0x80, v10, vm0, $0xb8;
	[tilespmem:$0x1B600] =	vst v63  }
0x15d: {  	s24 =	simm.s32 $0x12600  }
0x15e: {  	[tilespmem:s24], [sflag:$0x2] =	stream.indirect_vreg.gather [hbm4b:s30+s5], $0x80, v10, vm0, $0xb8;
	[tilespmem:$0x1B600] =	vst v63  }
0x15f: {  	s24 =	simm.s32 $0x12E00  }
0x160: {  	[tilespmem:s24], [sflag:$0x2] =	stream.indirect_vreg.gather [hbm4b:s31+s5], $0x80, v10, vm0, $0xb8;
	[tilespmem:$0x1B600] =	vst v63  }
0x161: {  	s24 =	simm.s32 $0x13600  }
0x162: {  	[tilespmem:s24], [sflag:$0x2] =	stream.indirect_vreg.gather [hbm4b:s9+s5], $0x80, v10, vm0, $0xb8;
	[tilespmem:$0x1B600] =	vst v63  }
0x163: {  	v8 =	vperm.xlane v8, v3;
	s24 =	simm.s32 $0x13E00  }
0x164: {  	[tilespmem:s24], [sflag:$0x2] =	stream.indirect_vreg.gather [hbm4b:s4+s5], $0x80, v10, vm0, $0xb8;
	[tilespmem:$0x1B600] =	vst v63  }
0x165: {  	v8 =	vadd.s32 v2, v8;
	s24 =	simm.s32 $0x14600  }
0x166: {  	[tilespmem:s24], [sflag:$0x2] =	stream.indirect_vreg.gather [hbm4b:s2+s5], $0x80, v10, vm0, $0xb8;
	[tilespmem:$0x1B600] =	vst v63  }
0x167: {  	s24 =	simm.s32 $0x14E00  }
0x168: {  	[tilespmem:s24], [sflag:$0x2] =	stream.indirect_vreg.gather [hbm4b:s1+s5], $0x80, v10, vm0, $0xb8;
	[tilespmem:$0x1B600] =	vst v63  }
0x169: {  	s24 =	simm.s32 $0x15600  }
0x16a: {  	[tilespmem:s24], [sflag:$0x2] =	stream.indirect_vreg.gather [hbm4b:s0+s5], $0x80, v8, vm0, $0xb8;
	[tilespmem:$0x1B600] =	vst v63  }
0x16b: {  	s24 =	simm.s32 $0x15E00  }
0x16c: {  	[tilespmem:s24], [sflag:$0x2] =	stream.indirect_vreg.gather [hbm4b:s12+s5], $0x80, v8, vm0, $0xb8;
	[tilespmem:$0x1B600] =	vst v63  }
0x16d: {  	s24 =	simm.s32 $0x16600  }
0x16e: {  	[tilespmem:s24], [sflag:$0x2] =	stream.indirect_vreg.gather [hbm4b:s13+s5], $0x80, v8, vm0, $0xb8;
	[tilespmem:$0x1B600] =	vst v63  }
0x16f: {  	s24 =	simm.s32 $0x16E00  }
0x170: {  	[tilespmem:s24], [sflag:$0x2] =	stream.indirect_vreg.gather [hbm4b:s26+s5], $0x80, v8, vm0, $0xb8;
	[tilespmem:$0x1B600] =	vst v63  }
0x171: {  	s24 =	simm.s32 $0x17600  }
0x172: {  	[tilespmem:s24], [sflag:$0x2] =	stream.indirect_vreg.gather [hbm4b:s28+s5], $0x80, v8, vm0, $0xb8;
	[tilespmem:$0x1B600] =	vst v63  }
0x173: {  	s24 =	simm.s32 $0x17E00  }
0x174: {  	[tilespmem:s24], [sflag:$0x2] =	stream.indirect_vreg.gather [hbm4b:s29+s5], $0x80, v8, vm0, $0xb8;
	[tilespmem:$0x1B600] =	vst v63  }
0x175: {  	s24 =	simm.s32 $0x18600  }
0x176: {  	[tilespmem:s24], [sflag:$0x2] =	stream.indirect_vreg.gather [hbm4b:s30+s5], $0x80, v8, vm0, $0xb8;
	[tilespmem:$0x1B600] =	vst v63  }
0x177: {  	s24 =	simm.s32 $0x18E00  }
0x178: {  	[tilespmem:s24], [sflag:$0x2] =	stream.indirect_vreg.gather [hbm4b:s31+s5], $0x80, v8, vm0, $0xb8;
	[tilespmem:$0x1B600] =	vst v63  }
0x179: {  	s24 =	simm.s32 $0x19600  }
0x17a: {  	[tilespmem:s24], [sflag:$0x2] =	stream.indirect_vreg.gather [hbm4b:s9+s5], $0x80, v8, vm0, $0xb8;
	[tilespmem:$0x1B600] =	vst v63  }
0x17b: {  	_ = 	snop  }
0x17c: {  	[tilespmem:s10], [sflag:$0x2] =	stream.indirect_vreg.gather [hbm4b:s4+s5], $0x80, v8, vm0, $0xb8;
	[tilespmem:$0x1B600] =	vst v63  }
0x17d: {  	_ = 	snop  }
0x17e: {  	[tilespmem:s8], [sflag:$0x2] =	stream.indirect_vreg.gather [hbm4b:s2+s5], $0x80, v8, vm0, $0xb8;
	[tilespmem:$0x1B600] =	vst v63  }
0x17f: {  	s24 =	simm.s32 $0x1  }
0x180: {  	[tilespmem:s7], [sflag:$0x2] =	stream.indirect_vreg.gather [hbm4b:s1+s5], $0x80, v8, vm0, $0xb8;
	[tilespmem:$0x1B600] =	vst v63  }
0x181: {  	_ =	swait.ge [sflag:s24], $0xC000  }
0x182: {  	[sflag:s24] =	ssyncset.done $0x0  }
0x183: {  	[sflag:s24] =	ssyncadd.s32 $0xFFFF4000  }
0x184: {  	v53 =	vld [tilespmem:$0x3300];
	_ =	sdelay $0x4  }
0x185: {  	v54 =	vshrl.u32 v53, $0x3  }
0x186: {  	v9 =	vmul.u32 $0xC0, v54  }
0x187: {  	v8 =	vand.u32 $0x7, v53  }
0x188: {  	v8 =	vor.u32 v8, v9  }
0x189: {  	v9 =	vperm.xlane v8, v1;
	_ =	sdelay $0x1  }
0x18a: {  	v9 =	vadd.s32 v2, v9;
	_ =	sdelay $0x3  }
0x18b: {  	s7 =	simm.s32 $0x3600  }
0x18c: {  	[hbm4b:s11+s5] =	stream.indirect_vreg.scatter [tilespmem:s7], [sflag:$0x3], $0x80, v9, vm0, $0xb8;
	[tilespmem:$0x1B600] =	vst v63  }
0x18d: {  	s8 =	simm.s32 $0x3E00  }
0x18e: {  	[hbm4b:s14+s5] =	stream.indirect_vreg.scatter [tilespmem:s8], [sflag:$0x3], $0x80, v9, vm0, $0xb8;
	[tilespmem:$0x1B600] =	vst v63  }
0x18f: {  	s7 =	simm.s32 $0x4600  }
0x190: {  	[hbm4b:s15+s5] =	stream.indirect_vreg.scatter [tilespmem:s7], [sflag:$0x3], $0x80, v9, vm0, $0xb8;
	[tilespmem:$0x1B600] =	vst v63  }
0x191: {  	s10 =	simm.s32 $0x4E00  }
0x192: {  	[hbm4b:s16+s5] =	stream.indirect_vreg.scatter [tilespmem:s10], [sflag:$0x3], $0x80, v9, vm0, $0xb8;
	[tilespmem:$0x1B600] =	vst v63  }
0x193: {  	s24 =	simm.s32 $0x5600  }
0x194: {  	[hbm4b:s17+s5] =	stream.indirect_vreg.scatter [tilespmem:s24], [sflag:$0x3], $0x80, v9, vm0, $0xb8;
	[tilespmem:$0x1B600] =	vst v63  }
0x195: {  	s8 =	simm.s32 $0x5E00  }
0x196: {  	[hbm4b:s18+s5] =	stream.indirect_vreg.scatter [tilespmem:s8], [sflag:$0x3], $0x80, v9, vm0, $0xb8;
	[tilespmem:$0x1B600] =	vst v63  }
0x197: {  	s10 =	simm.s32 $0x6600  }
0x198: {  	[hbm4b:s19+s5] =	stream.indirect_vreg.scatter [tilespmem:s10], [sflag:$0x3], $0x80, v9, vm0, $0xb8;
	[tilespmem:$0x1B600] =	vst v63  }
0x199: {  	s24 =	simm.s32 $0x6E00  }
0x19a: {  	[hbm4b:s20+s5] =	stream.indirect_vreg.scatter [tilespmem:s24], [sflag:$0x3], $0x80, v9, vm0, $0xb8;
	[tilespmem:$0x1B600] =	vst v63  }
0x19b: {  	s8 =	simm.s32 $0x7600  }
0x19c: {  	[hbm4b:s21+s5] =	stream.indirect_vreg.scatter [tilespmem:s8], [sflag:$0x3], $0x80, v9, vm0, $0xb8;
	[tilespmem:$0x1B600] =	vst v63  }
0x19d: {  	v8 =	vperm.xlane v8, v3;
	s10 =	simm.s32 $0x7E00  }
0x19e: {  	[hbm4b:s22+s5] =	stream.indirect_vreg.scatter [tilespmem:s10], [sflag:$0x3], $0x80, v9, vm0, $0xb8;
	[tilespmem:$0x1B600] =	vst v63  }
0x19f: {  	v8 =	vadd.s32 v2, v8;
	s24 =	simm.s32 $0x8600  }
0x1a0: {  	[hbm4b:s23+s5] =	stream.indirect_vreg.scatter [tilespmem:s24], [sflag:$0x3], $0x80, v9, vm0, $0xb8;
	[tilespmem:$0x1B600] =	vst v63  }
0x1a1: {  	s8 =	simm.s32 $0x8E00  }
0x1a2: {  	[hbm4b:s25+s5] =	stream.indirect_vreg.scatter [tilespmem:s8], [sflag:$0x3], $0x80, v9, vm0, $0xb8;
	[tilespmem:$0x1B600] =	vst v63  }
0x1a3: {  	s10 =	simm.s32 $0x9600  }
0x1a4: {  	[hbm4b:s11+s5] =	stream.indirect_vreg.scatter [tilespmem:s10], [sflag:$0x3], $0x80, v8, vm0, $0xb8;
	[tilespmem:$0x1B600] =	vst v63  }
0x1a5: {  	s24 =	simm.s32 $0x9E00  }
0x1a6: {  	[hbm4b:s14+s5] =	stream.indirect_vreg.scatter [tilespmem:s24], [sflag:$0x3], $0x80, v8, vm0, $0xb8;
	[tilespmem:$0x1B600] =	vst v63  }
0x1a7: {  	s8 =	simm.s32 $0xA600  }
0x1a8: {  	[hbm4b:s15+s5] =	stream.indirect_vreg.scatter [tilespmem:s8], [sflag:$0x3], $0x80, v8, vm0, $0xb8;
	[tilespmem:$0x1B600] =	vst v63  }
0x1a9: {  	s10 =	simm.s32 $0xAE00  }
0x1aa: {  	[hbm4b:s16+s5] =	stream.indirect_vreg.scatter [tilespmem:s10], [sflag:$0x3], $0x80, v8, vm0, $0xb8;
	[tilespmem:$0x1B600] =	vst v63  }
0x1ab: {  	s24 =	simm.s32 $0xB600  }
0x1ac: {  	[hbm4b:s17+s5] =	stream.indirect_vreg.scatter [tilespmem:s24], [sflag:$0x3], $0x80, v8, vm0, $0xb8;
	[tilespmem:$0x1B600] =	vst v63  }
0x1ad: {  	s8 =	simm.s32 $0xBE00  }
0x1ae: {  	[hbm4b:s18+s5] =	stream.indirect_vreg.scatter [tilespmem:s8], [sflag:$0x3], $0x80, v8, vm0, $0xb8;
	[tilespmem:$0x1B600] =	vst v63  }
0x1af: {  	s10 =	simm.s32 $0xC600  }
0x1b0: {  	[hbm4b:s19+s5] =	stream.indirect_vreg.scatter [tilespmem:s10], [sflag:$0x3], $0x80, v8, vm0, $0xb8;
	[tilespmem:$0x1B600] =	vst v63  }
0x1b1: {  	s24 =	simm.s32 $0xCE00  }
0x1b2: {  	[hbm4b:s20+s5] =	stream.indirect_vreg.scatter [tilespmem:s24], [sflag:$0x3], $0x80, v8, vm0, $0xb8;
	[tilespmem:$0x1B600] =	vst v63  }
0x1b3: {  	s8 =	simm.s32 $0xD600  }
0x1b4: {  	v55 =	vshrl.u32 v7, $0x3;
	[hbm4b:s21+s5] =	stream.indirect_vreg.scatter [tilespmem:s8], [sflag:$0x3], $0x80, v8, vm0, $0xb8;
	[tilespmem:$0x1B600] =	vst v63  }
0x1b5: {  	v9 =	vmul.u32 $0xC0, v55;
	s10 =	simm.s32 $0xDE00  }
0x1b6: {  	v7 =	vand.u32 $0x7, v7;
	[hbm4b:s22+s5] =	stream.indirect_vreg.scatter [tilespmem:s10], [sflag:$0x3], $0x80, v8, vm0, $0xb8;
	[tilespmem:$0x1B600] =	vst v63  }
0x1b7: {  	v7 =	vor.u32 v7, v9;
	s8 =	simm.s32 $0xE600  }
0x1b8: {  	v9 =	vperm.xlane v7, v1;
	[hbm4b:s23+s5] =	stream.indirect_vreg.scatter [tilespmem:s8], [sflag:$0x3], $0x80, v8, vm0, $0xb8;
	[tilespmem:$0x1B600] =	vst v63  }
0x1b9: {  	s24 =	simm.s32 $0x3;
	s10 =	simm.s32 $0xEE00  }
0x1ba: {  	v9 =	vadd.s32 v2, v9;
	[hbm4b:s25+s5] =	stream.indirect_vreg.scatter [tilespmem:s10], [sflag:$0x3], $0x80, v8, vm0, $0xb8;
	[tilespmem:$0x1B600] =	vst v63  }
0x1bb: {  	_ =	swait.ge [sflag:s24], $0xC000  }
0x1bc: {  	[sflag:s24] =	ssyncset.done $0x0  }
0x1bd: {  	[sflag:s24] =	ssyncadd.s32 $0xFFFF4000  }
0x1be: {  	s24 =	simm.s32 $0x3600;
	s0 =	rddreg [dreg:$0x0]  }
0x1bf: {  	[tilespmem:s24], [sflag:$0x1] =	stream.indirect_vreg.gather [hbm4b:s0+s5], $0x80, v9, vm0, $0xb8;
	[tilespmem:$0x1B600] =	vst v63  }
0x1c0: {  	s24 =	simm.s32 $0x3E00  }
0x1c1: {  	[tilespmem:s24], [sflag:$0x1] =	stream.indirect_vreg.gather [hbm4b:s12+s5], $0x80, v9, vm0, $0xb8;
	[tilespmem:$0x1B600] =	vst v63  }
0x1c2: {  	_ = 	snop  }
0x1c3: {  	[tilespmem:s7], [sflag:$0x1] =	stream.indirect_vreg.gather [hbm4b:s13+s5], $0x80, v9, vm0, $0xb8;
	[tilespmem:$0x1B600] =	vst v63  }
0x1c4: {  	s24 =	simm.s32 $0x4E00  }
0x1c5: {  	[tilespmem:s24], [sflag:$0x1] =	stream.indirect_vreg.gather [hbm4b:s26+s5], $0x80, v9, vm0, $0xb8;
	[tilespmem:$0x1B600] =	vst v63  }
0x1c6: {  	s24 =	simm.s32 $0x5600  }
0x1c7: {  	[tilespmem:s24], [sflag:$0x1] =	stream.indirect_vreg.gather [hbm4b:s28+s5], $0x80, v9, vm0, $0xb8;
	[tilespmem:$0x1B600] =	vst v63  }
0x1c8: {  	s24 =	simm.s32 $0x5E00  }
0x1c9: {  	[tilespmem:s24], [sflag:$0x1] =	stream.indirect_vreg.gather [hbm4b:s29+s5], $0x80, v9, vm0, $0xb8;
	[tilespmem:$0x1B600] =	vst v63  }
0x1ca: {  	s24 =	simm.s32 $0x6600  }
0x1cb: {  	[tilespmem:s24], [sflag:$0x1] =	stream.indirect_vreg.gather [hbm4b:s30+s5], $0x80, v9, vm0, $0xb8;
	[tilespmem:$0x1B600] =	vst v63  }
0x1cc: {  	s24 =	simm.s32 $0x6E00  }
0x1cd: {  	[tilespmem:s24], [sflag:$0x1] =	stream.indirect_vreg.gather [hbm4b:s31+s5], $0x80, v9, vm0, $0xb8;
	[tilespmem:$0x1B600] =	vst v63  }
0x1ce: {  	s24 =	simm.s32 $0x7600  }
0x1cf: {  	[tilespmem:s24], [sflag:$0x1] =	stream.indirect_vreg.gather [hbm4b:s9+s5], $0x80, v9, vm0, $0xb8;
	[tilespmem:$0x1B600] =	vst v63  }
0x1d0: {  	v7 =	vperm.xlane v7, v3;
	s24 =	simm.s32 $0x7E00  }
0x1d1: {  	[tilespmem:s24], [sflag:$0x1] =	stream.indirect_vreg.gather [hbm4b:s4+s5], $0x80, v9, vm0, $0xb8;
	[tilespmem:$0x1B600] =	vst v63  }
0x1d2: {  	v7 =	vadd.s32 v2, v7;
	s24 =	simm.s32 $0x8600  }
0x1d3: {  	[tilespmem:s24], [sflag:$0x1] =	stream.indirect_vreg.gather [hbm4b:s2+s5], $0x80, v9, vm0, $0xb8;
	[tilespmem:$0x1B600] =	vst v63  }
0x1d4: {  	s24 =	simm.s32 $0x8E00  }
0x1d5: {  	[tilespmem:s24], [sflag:$0x1] =	stream.indirect_vreg.gather [hbm4b:s1+s5], $0x80, v9, vm0, $0xb8;
	[tilespmem:$0x1B600] =	vst v63  }
0x1d6: {  	s24 =	simm.s32 $0x9600  }
0x1d7: {  	[tilespmem:s24], [sflag:$0x1] =	stream.indirect_vreg.gather [hbm4b:s0+s5], $0x80, v7, vm0, $0xb8;
	[tilespmem:$0x1B600] =	vst v63  }
0x1d8: {  	s7 =	simm.s32 $0x9E00  }
0x1d9: {  	[tilespmem:s7], [sflag:$0x1] =	stream.indirect_vreg.gather [hbm4b:s12+s5], $0x80, v7, vm0, $0xb8;
	[tilespmem:$0x1B600] =	vst v63  }
0x1da: {  	s24 =	simm.s32 $0xA600  }
0x1db: {  	[tilespmem:s24], [sflag:$0x1] =	stream.indirect_vreg.gather [hbm4b:s13+s5], $0x80, v7, vm0, $0xb8;
	[tilespmem:$0x1B600] =	vst v63  }
0x1dc: {  	s7 =	simm.s32 $0xAE00  }
0x1dd: {  	[tilespmem:s7], [sflag:$0x1] =	stream.indirect_vreg.gather [hbm4b:s26+s5], $0x80, v7, vm0, $0xb8;
	[tilespmem:$0x1B600] =	vst v63  }
0x1de: {  	s24 =	simm.s32 $0xB600  }
0x1df: {  	[tilespmem:s24], [sflag:$0x1] =	stream.indirect_vreg.gather [hbm4b:s28+s5], $0x80, v7, vm0, $0xb8;
	[tilespmem:$0x1B600] =	vst v63  }
0x1e0: {  	s7 =	simm.s32 $0xBE00  }
0x1e1: {  	[tilespmem:s7], [sflag:$0x1] =	stream.indirect_vreg.gather [hbm4b:s29+s5], $0x80, v7, vm0, $0xb8;
	[tilespmem:$0x1B600] =	vst v63  }
0x1e2: {  	s24 =	simm.s32 $0xC600  }
0x1e3: {  	[tilespmem:s24], [sflag:$0x1] =	stream.indirect_vreg.gather [hbm4b:s30+s5], $0x80, v7, vm0, $0xb8;
	[tilespmem:$0x1B600] =	vst v63  }
0x1e4: {  	s7 =	simm.s32 $0xCE00  }
0x1e5: {  	[tilespmem:s7], [sflag:$0x1] =	stream.indirect_vreg.gather [hbm4b:s31+s5], $0x80, v7, vm0, $0xb8;
	[tilespmem:$0x1B600] =	vst v63  }
0x1e6: {  	s24 =	simm.s32 $0xD600  }
0x1e7: {  	[tilespmem:s24], [sflag:$0x1] =	stream.indirect_vreg.gather [hbm4b:s9+s5], $0x80, v7, vm0, $0xb8;
	[tilespmem:$0x1B600] =	vst v63  }
0x1e8: {  	s7 =	simm.s32 $0xDE00  }
0x1e9: {  	[tilespmem:s7], [sflag:$0x1] =	stream.indirect_vreg.gather [hbm4b:s4+s5], $0x80, v7, vm0, $0xb8;
	[tilespmem:$0x1B600] =	vst v63  }
0x1ea: {  	_ = 	snop  }
0x1eb: {  	[tilespmem:s8], [sflag:$0x1] =	stream.indirect_vreg.gather [hbm4b:s2+s5], $0x80, v7, vm0, $0xb8;
	[tilespmem:$0x1B600] =	vst v63  }
0x1ec: {  	s24 =	simm.s32 $0x2  }
0x1ed: {  	[tilespmem:s10], [sflag:$0x1] =	stream.indirect_vreg.gather [hbm4b:s1+s5], $0x80, v7, vm0, $0xb8;
	[tilespmem:$0x1B600] =	vst v63  }
0x1ee: {  	_ =	swait.ge [sflag:s24], $0xC000  }
0x1ef: {  	[sflag:s24] =	ssyncset.done $0x0  }
0x1f0: {  	[sflag:s24] =	ssyncadd.s32 $0xFFFF4000  }
0x1f1: {  	v56 =	vld [tilespmem:$0x3380];
	_ =	sdelay $0x4  }
0x1f2: {  	v57 =	vshrl.u32 v56, $0x3  }
0x1f3: {  	v8 =	vmul.u32 $0xC0, v57  }
0x1f4: {  	v7 =	vand.u32 $0x7, v56  }
0x1f5: {  	v7 =	vor.u32 v7, v8  }
0x1f6: {  	v8 =	vperm.xlane v7, v1;
	_ =	sdelay $0x1  }
0x1f7: {  	v8 =	vadd.s32 v2, v8;
	_ =	sdelay $0x3  }
0x1f8: {  	s7 =	simm.s32 $0xF600  }
0x1f9: {  	[hbm4b:s11+s5] =	stream.indirect_vreg.scatter [tilespmem:s7], [sflag:$0x4], $0x80, v8, vm0, $0xb8;
	[tilespmem:$0x1B600] =	vst v63  }
0x1fa: {  	s8 =	simm.s32 $0xFE00  }
0x1fb: {  	[hbm4b:s14+s5] =	stream.indirect_vreg.scatter [tilespmem:s8], [sflag:$0x4], $0x80, v8, vm0, $0xb8;
	[tilespmem:$0x1B600] =	vst v63  }
0x1fc: {  	s10 =	simm.s32 $0x10600  }
0x1fd: {  	[hbm4b:s15+s5] =	stream.indirect_vreg.scatter [tilespmem:s10], [sflag:$0x4], $0x80, v8, vm0, $0xb8;
	[tilespmem:$0x1B600] =	vst v63  }
0x1fe: {  	s7 =	simm.s32 $0x10E00  }
0x1ff: {  	[hbm4b:s16+s5] =	stream.indirect_vreg.scatter [tilespmem:s7], [sflag:$0x4], $0x80, v8, vm0, $0xb8;
	[tilespmem:$0x1B600] =	vst v63  }
0x200: {  	s8 =	simm.s32 $0x11600  }
0x201: {  	[hbm4b:s17+s5] =	stream.indirect_vreg.scatter [tilespmem:s8], [sflag:$0x4], $0x80, v8, vm0, $0xb8;
	[tilespmem:$0x1B600] =	vst v63  }
0x202: {  	s10 =	simm.s32 $0x11E00  }
0x203: {  	[hbm4b:s18+s5] =	stream.indirect_vreg.scatter [tilespmem:s10], [sflag:$0x4], $0x80, v8, vm0, $0xb8;
	[tilespmem:$0x1B600] =	vst v63  }
0x204: {  	s7 =	simm.s32 $0x12600  }
0x205: {  	[hbm4b:s19+s5] =	stream.indirect_vreg.scatter [tilespmem:s7], [sflag:$0x4], $0x80, v8, vm0, $0xb8;
	[tilespmem:$0x1B600] =	vst v63  }
0x206: {  	s8 =	simm.s32 $0x12E00  }
0x207: {  	[hbm4b:s20+s5] =	stream.indirect_vreg.scatter [tilespmem:s8], [sflag:$0x4], $0x80, v8, vm0, $0xb8;
	[tilespmem:$0x1B600] =	vst v63  }
0x208: {  	s10 =	simm.s32 $0x13600  }
0x209: {  	[hbm4b:s21+s5] =	stream.indirect_vreg.scatter [tilespmem:s10], [sflag:$0x4], $0x80, v8, vm0, $0xb8;
	[tilespmem:$0x1B600] =	vst v63  }
0x20a: {  	v7 =	vperm.xlane v7, v3;
	s7 =	simm.s32 $0x13E00  }
0x20b: {  	[hbm4b:s22+s5] =	stream.indirect_vreg.scatter [tilespmem:s7], [sflag:$0x4], $0x80, v8, vm0, $0xb8;
	[tilespmem:$0x1B600] =	vst v63  }
0x20c: {  	v7 =	vadd.s32 v2, v7;
	s8 =	simm.s32 $0x14600  }
0x20d: {  	[hbm4b:s23+s5] =	stream.indirect_vreg.scatter [tilespmem:s8], [sflag:$0x4], $0x80, v8, vm0, $0xb8;
	[tilespmem:$0x1B600] =	vst v63  }
0x20e: {  	s10 =	simm.s32 $0x14E00  }
0x20f: {  	[hbm4b:s25+s5] =	stream.indirect_vreg.scatter [tilespmem:s10], [sflag:$0x4], $0x80, v8, vm0, $0xb8;
	[tilespmem:$0x1B600] =	vst v63  }
0x210: {  	s7 =	simm.s32 $0x15600  }
0x211: {  	[hbm4b:s11+s5] =	stream.indirect_vreg.scatter [tilespmem:s7], [sflag:$0x4], $0x80, v7, vm0, $0xb8;
	[tilespmem:$0x1B600] =	vst v63  }
0x212: {  	s8 =	simm.s32 $0x15E00  }
0x213: {  	[hbm4b:s14+s5] =	stream.indirect_vreg.scatter [tilespmem:s8], [sflag:$0x4], $0x80, v7, vm0, $0xb8;
	[tilespmem:$0x1B600] =	vst v63  }
0x214: {  	s10 =	simm.s32 $0x16600  }
0x215: {  	[hbm4b:s15+s5] =	stream.indirect_vreg.scatter [tilespmem:s10], [sflag:$0x4], $0x80, v7, vm0, $0xb8;
	[tilespmem:$0x1B600] =	vst v63  }
0x216: {  	s7 =	simm.s32 $0x16E00  }
0x217: {  	[hbm4b:s16+s5] =	stream.indirect_vreg.scatter [tilespmem:s7], [sflag:$0x4], $0x80, v7, vm0, $0xb8;
	[tilespmem:$0x1B600] =	vst v63  }
0x218: {  	s8 =	simm.s32 $0x17600  }
0x219: {  	[hbm4b:s17+s5] =	stream.indirect_vreg.scatter [tilespmem:s8], [sflag:$0x4], $0x80, v7, vm0, $0xb8;
	[tilespmem:$0x1B600] =	vst v63  }
0x21a: {  	s10 =	simm.s32 $0x17E00  }
0x21b: {  	[hbm4b:s18+s5] =	stream.indirect_vreg.scatter [tilespmem:s10], [sflag:$0x4], $0x80, v7, vm0, $0xb8;
	[tilespmem:$0x1B600] =	vst v63  }
0x21c: {  	s7 =	simm.s32 $0x18600  }
0x21d: {  	[hbm4b:s19+s5] =	stream.indirect_vreg.scatter [tilespmem:s7], [sflag:$0x4], $0x80, v7, vm0, $0xb8;
	[tilespmem:$0x1B600] =	vst v63  }
0x21e: {  	s8 =	simm.s32 $0x18E00  }
0x21f: {  	[hbm4b:s20+s5] =	stream.indirect_vreg.scatter [tilespmem:s8], [sflag:$0x4], $0x80, v7, vm0, $0xb8;
	[tilespmem:$0x1B600] =	vst v63  }
0x220: {  	s10 =	simm.s32 $0x19600  }
0x221: {  	v58 =	vshrl.u32 v6, $0x3;
	[hbm4b:s21+s5] =	stream.indirect_vreg.scatter [tilespmem:s10], [sflag:$0x4], $0x80, v7, vm0, $0xb8;
	[tilespmem:$0x1B600] =	vst v63  }
0x222: {  	v8 =	vmul.u32 $0xC0, v58;
	s10 =	simm.s32 $0x19E00  }
0x223: {  	v6 =	vand.u32 $0x7, v6;
	[hbm4b:s22+s5] =	stream.indirect_vreg.scatter [tilespmem:s10], [sflag:$0x4], $0x80, v7, vm0, $0xb8;
	[tilespmem:$0x1B600] =	vst v63  }
0x224: {  	v6 =	vor.u32 v6, v8;
	s8 =	simm.s32 $0x1A600  }
0x225: {  	v8 =	vperm.xlane v6, v1;
	[hbm4b:s23+s5] =	stream.indirect_vreg.scatter [tilespmem:s8], [sflag:$0x4], $0x80, v7, vm0, $0xb8;
	[tilespmem:$0x1B600] =	vst v63  }
0x226: {  	s0 =	simm.s32 $0x4;
	s7 =	simm.s32 $0x1AE00  }
0x227: {  	v8 =	vadd.s32 v2, v8;
	[hbm4b:s25+s5] =	stream.indirect_vreg.scatter [tilespmem:s7], [sflag:$0x4], $0x80, v7, vm0, $0xb8;
	[tilespmem:$0x1B600] =	vst v63  }
0x228: {  	_ =	swait.ge [sflag:s0], $0xC000  }
0x229: {  	[sflag:s0] =	ssyncset.done $0x0  }
0x22a: {  	[sflag:s0] =	ssyncadd.s32 $0xFFFF4000  }
0x22b: {  	s24 =	simm.s32 $0xF600;
	s0 =	rddreg [dreg:$0x0]  }
0x22c: {  	[tilespmem:s24], [sflag:$0x2] =	stream.indirect_vreg.gather [hbm4b:s0+s5], $0x80, v8, vm0, $0xb8;
	[tilespmem:$0x1B600] =	vst v63  }
0x22d: {  	s24 =	simm.s32 $0xFE00  }
0x22e: {  	[tilespmem:s24], [sflag:$0x2] =	stream.indirect_vreg.gather [hbm4b:s12+s5], $0x80, v8, vm0, $0xb8;
	[tilespmem:$0x1B600] =	vst v63  }
0x22f: {  	s24 =	simm.s32 $0x10600  }
0x230: {  	[tilespmem:s24], [sflag:$0x2] =	stream.indirect_vreg.gather [hbm4b:s13+s5], $0x80, v8, vm0, $0xb8;
	[tilespmem:$0x1B600] =	vst v63  }
0x231: {  	s24 =	simm.s32 $0x10E00  }
0x232: {  	[tilespmem:s24], [sflag:$0x2] =	stream.indirect_vreg.gather [hbm4b:s26+s5], $0x80, v8, vm0, $0xb8;
	[tilespmem:$0x1B600] =	vst v63  }
0x233: {  	s24 =	simm.s32 $0x11600  }
0x234: {  	[tilespmem:s24], [sflag:$0x2] =	stream.indirect_vreg.gather [hbm4b:s28+s5], $0x80, v8, vm0, $0xb8;
	[tilespmem:$0x1B600] =	vst v63  }
0x235: {  	s24 =	simm.s32 $0x11E00  }
0x236: {  	[tilespmem:s24], [sflag:$0x2] =	stream.indirect_vreg.gather [hbm4b:s29+s5], $0x80, v8, vm0, $0xb8;
	[tilespmem:$0x1B600] =	vst v63  }
0x237: {  	s24 =	simm.s32 $0x12600  }
0x238: {  	[tilespmem:s24], [sflag:$0x2] =	stream.indirect_vreg.gather [hbm4b:s30+s5], $0x80, v8, vm0, $0xb8;
	[tilespmem:$0x1B600] =	vst v63  }
0x239: {  	s24 =	simm.s32 $0x12E00  }
0x23a: {  	[tilespmem:s24], [sflag:$0x2] =	stream.indirect_vreg.gather [hbm4b:s31+s5], $0x80, v8, vm0, $0xb8;
	[tilespmem:$0x1B600] =	vst v63  }
0x23b: {  	s24 =	simm.s32 $0x13600  }
0x23c: {  	[tilespmem:s24], [sflag:$0x2] =	stream.indirect_vreg.gather [hbm4b:s9+s5], $0x80, v8, vm0, $0xb8;
	[tilespmem:$0x1B600] =	vst v63  }
0x23d: {  	v6 =	vperm.xlane v6, v3;
	s24 =	simm.s32 $0x13E00  }
0x23e: {  	[tilespmem:s24], [sflag:$0x2] =	stream.indirect_vreg.gather [hbm4b:s4+s5], $0x80, v8, vm0, $0xb8;
	[tilespmem:$0x1B600] =	vst v63  }
0x23f: {  	v6 =	vadd.s32 v2, v6;
	s24 =	simm.s32 $0x14600  }
0x240: {  	[tilespmem:s24], [sflag:$0x2] =	stream.indirect_vreg.gather [hbm4b:s2+s5], $0x80, v8, vm0, $0xb8;
	[tilespmem:$0x1B600] =	vst v63  }
0x241: {  	s24 =	simm.s32 $0x14E00  }
0x242: {  	[tilespmem:s24], [sflag:$0x2] =	stream.indirect_vreg.gather [hbm4b:s1+s5], $0x80, v8, vm0, $0xb8;
	[tilespmem:$0x1B600] =	vst v63  }
0x243: {  	s24 =	simm.s32 $0x15600  }
0x244: {  	[tilespmem:s24], [sflag:$0x2] =	stream.indirect_vreg.gather [hbm4b:s0+s5], $0x80, v6, vm0, $0xb8;
	[tilespmem:$0x1B600] =	vst v63  }
0x245: {  	s24 =	simm.s32 $0x15E00  }
0x246: {  	[tilespmem:s24], [sflag:$0x2] =	stream.indirect_vreg.gather [hbm4b:s12+s5], $0x80, v6, vm0, $0xb8;
	[tilespmem:$0x1B600] =	vst v63  }
0x247: {  	s24 =	simm.s32 $0x16600  }
0x248: {  	[tilespmem:s24], [sflag:$0x2] =	stream.indirect_vreg.gather [hbm4b:s13+s5], $0x80, v6, vm0, $0xb8;
	[tilespmem:$0x1B600] =	vst v63  }
0x249: {  	s24 =	simm.s32 $0x16E00  }
0x24a: {  	[tilespmem:s24], [sflag:$0x2] =	stream.indirect_vreg.gather [hbm4b:s26+s5], $0x80, v6, vm0, $0xb8;
	[tilespmem:$0x1B600] =	vst v63  }
0x24b: {  	s24 =	simm.s32 $0x17600  }
0x24c: {  	[tilespmem:s24], [sflag:$0x2] =	stream.indirect_vreg.gather [hbm4b:s28+s5], $0x80, v6, vm0, $0xb8;
	[tilespmem:$0x1B600] =	vst v63  }
0x24d: {  	s24 =	simm.s32 $0x17E00  }
0x24e: {  	[tilespmem:s24], [sflag:$0x2] =	stream.indirect_vreg.gather [hbm4b:s29+s5], $0x80, v6, vm0, $0xb8;
	[tilespmem:$0x1B600] =	vst v63  }
0x24f: {  	s24 =	simm.s32 $0x18600  }
0x250: {  	[tilespmem:s24], [sflag:$0x2] =	stream.indirect_vreg.gather [hbm4b:s30+s5], $0x80, v6, vm0, $0xb8;
	[tilespmem:$0x1B600] =	vst v63  }
0x251: {  	s24 =	simm.s32 $0x18E00  }
0x252: {  	[tilespmem:s24], [sflag:$0x2] =	stream.indirect_vreg.gather [hbm4b:s31+s5], $0x80, v6, vm0, $0xb8;
	[tilespmem:$0x1B600] =	vst v63  }
0x253: {  	s24 =	simm.s32 $0x19600  }
0x254: {  	[tilespmem:s24], [sflag:$0x2] =	stream.indirect_vreg.gather [hbm4b:s9+s5], $0x80, v6, vm0, $0xb8;
	[tilespmem:$0x1B600] =	vst v63  }
0x255: {  	_ = 	snop  }
0x256: {  	[tilespmem:s10], [sflag:$0x2] =	stream.indirect_vreg.gather [hbm4b:s4+s5], $0x80, v6, vm0, $0xb8;
	[tilespmem:$0x1B600] =	vst v63  }
0x257: {  	_ = 	snop  }
0x258: {  	[tilespmem:s8], [sflag:$0x2] =	stream.indirect_vreg.gather [hbm4b:s2+s5], $0x80, v6, vm0, $0xb8;
	[tilespmem:$0x1B600] =	vst v63  }
0x259: {  	s8 =	simm.s32 $0x1  }
0x25a: {  	[tilespmem:s7], [sflag:$0x2] =	stream.indirect_vreg.gather [hbm4b:s1+s5], $0x80, v6, vm0, $0xb8;
	[tilespmem:$0x1B600] =	vst v63  }
0x25b: {  	_ =	swait.ge [sflag:s8], $0xC000  }
0x25c: {  	[sflag:s8] =	ssyncset.done $0x0  }
0x25d: {  	[sflag:s8] =	ssyncadd.s32 $0xFFFF4000  }
0x25e: {  	v59 =	vld [tilespmem:$0x3400];
	_ =	sdelay $0x4  }
0x25f: {  	v60 =	vshrl.u32 v59, $0x3  }
0x260: {  	v7 =	vmul.u32 $0xC0, v60  }
0x261: {  	v6 =	vand.u32 $0x7, v59  }
0x262: {  	v6 =	vor.u32 v6, v7  }
0x263: {  	v7 =	vperm.xlane v6, v1;
	_ =	sdelay $0x1  }
0x264: {  	v7 =	vadd.s32 v2, v7;
	_ =	sdelay $0x3  }
0x265: {  	s10 =	simm.s32 $0x3600  }
0x266: {  	[hbm4b:s11+s5] =	stream.indirect_vreg.scatter [tilespmem:s10], [sflag:$0x3], $0x80, v7, vm0, $0xb8;
	[tilespmem:$0x1B600] =	vst v63  }
0x267: {  	s24 =	simm.s32 $0x3E00  }
0x268: {  	[hbm4b:s14+s5] =	stream.indirect_vreg.scatter [tilespmem:s24], [sflag:$0x3], $0x80, v7, vm0, $0xb8;
	[tilespmem:$0x1B600] =	vst v63  }
0x269: {  	s7 =	simm.s32 $0x4600  }
0x26a: {  	[hbm4b:s15+s5] =	stream.indirect_vreg.scatter [tilespmem:s7], [sflag:$0x3], $0x80, v7, vm0, $0xb8;
	[tilespmem:$0x1B600] =	vst v63  }
0x26b: {  	s8 =	simm.s32 $0x4E00  }
0x26c: {  	[hbm4b:s16+s5] =	stream.indirect_vreg.scatter [tilespmem:s8], [sflag:$0x3], $0x80, v7, vm0, $0xb8;
	[tilespmem:$0x1B600] =	vst v63  }
0x26d: {  	s10 =	simm.s32 $0x5600  }
0x26e: {  	[hbm4b:s17+s5] =	stream.indirect_vreg.scatter [tilespmem:s10], [sflag:$0x3], $0x80, v7, vm0, $0xb8;
	[tilespmem:$0x1B600] =	vst v63  }
0x26f: {  	s24 =	simm.s32 $0x5E00  }
0x270: {  	[hbm4b:s18+s5] =	stream.indirect_vreg.scatter [tilespmem:s24], [sflag:$0x3], $0x80, v7, vm0, $0xb8;
	[tilespmem:$0x1B600] =	vst v63  }
0x271: {  	s7 =	simm.s32 $0x6600  }
0x272: {  	[hbm4b:s19+s5] =	stream.indirect_vreg.scatter [tilespmem:s7], [sflag:$0x3], $0x80, v7, vm0, $0xb8;
	[tilespmem:$0x1B600] =	vst v63  }
0x273: {  	s8 =	simm.s32 $0x6E00  }
0x274: {  	[hbm4b:s20+s5] =	stream.indirect_vreg.scatter [tilespmem:s8], [sflag:$0x3], $0x80, v7, vm0, $0xb8;
	[tilespmem:$0x1B600] =	vst v63  }
0x275: {  	s10 =	simm.s32 $0x7600  }
0x276: {  	[hbm4b:s21+s5] =	stream.indirect_vreg.scatter [tilespmem:s10], [sflag:$0x3], $0x80, v7, vm0, $0xb8;
	[tilespmem:$0x1B600] =	vst v63  }
0x277: {  	v6 =	vperm.xlane v6, v3;
	s24 =	simm.s32 $0x7E00  }
0x278: {  	[hbm4b:s22+s5] =	stream.indirect_vreg.scatter [tilespmem:s24], [sflag:$0x3], $0x80, v7, vm0, $0xb8;
	[tilespmem:$0x1B600] =	vst v63  }
0x279: {  	v6 =	vadd.s32 v2, v6;
	s7 =	simm.s32 $0x8600  }
0x27a: {  	[hbm4b:s23+s5] =	stream.indirect_vreg.scatter [tilespmem:s7], [sflag:$0x3], $0x80, v7, vm0, $0xb8;
	[tilespmem:$0x1B600] =	vst v63  }
0x27b: {  	s8 =	simm.s32 $0x8E00  }
0x27c: {  	[hbm4b:s25+s5] =	stream.indirect_vreg.scatter [tilespmem:s8], [sflag:$0x3], $0x80, v7, vm0, $0xb8;
	[tilespmem:$0x1B600] =	vst v63  }
0x27d: {  	s10 =	simm.s32 $0x9600  }
0x27e: {  	[hbm4b:s11+s5] =	stream.indirect_vreg.scatter [tilespmem:s10], [sflag:$0x3], $0x80, v6, vm0, $0xb8;
	[tilespmem:$0x1B600] =	vst v63  }
0x27f: {  	s24 =	simm.s32 $0x9E00  }
0x280: {  	[hbm4b:s14+s5] =	stream.indirect_vreg.scatter [tilespmem:s24], [sflag:$0x3], $0x80, v6, vm0, $0xb8;
	[tilespmem:$0x1B600] =	vst v63  }
0x281: {  	s7 =	simm.s32 $0xA600  }
0x282: {  	[hbm4b:s15+s5] =	stream.indirect_vreg.scatter [tilespmem:s7], [sflag:$0x3], $0x80, v6, vm0, $0xb8;
	[tilespmem:$0x1B600] =	vst v63  }
0x283: {  	s8 =	simm.s32 $0xAE00  }
0x284: {  	[hbm4b:s16+s5] =	stream.indirect_vreg.scatter [tilespmem:s8], [sflag:$0x3], $0x80, v6, vm0, $0xb8;
	[tilespmem:$0x1B600] =	vst v63  }
0x285: {  	s10 =	simm.s32 $0xB600  }
0x286: {  	[hbm4b:s17+s5] =	stream.indirect_vreg.scatter [tilespmem:s10], [sflag:$0x3], $0x80, v6, vm0, $0xb8;
	[tilespmem:$0x1B600] =	vst v63  }
0x287: {  	s24 =	simm.s32 $0xBE00  }
0x288: {  	[hbm4b:s18+s5] =	stream.indirect_vreg.scatter [tilespmem:s24], [sflag:$0x3], $0x80, v6, vm0, $0xb8;
	[tilespmem:$0x1B600] =	vst v63  }
0x289: {  	s7 =	simm.s32 $0xC600  }
0x28a: {  	[hbm4b:s19+s5] =	stream.indirect_vreg.scatter [tilespmem:s7], [sflag:$0x3], $0x80, v6, vm0, $0xb8;
	[tilespmem:$0x1B600] =	vst v63  }
0x28b: {  	s8 =	simm.s32 $0xCE00  }
0x28c: {  	[hbm4b:s20+s5] =	stream.indirect_vreg.scatter [tilespmem:s8], [sflag:$0x3], $0x80, v6, vm0, $0xb8;
	[tilespmem:$0x1B600] =	vst v63  }
0x28d: {  	s10 =	simm.s32 $0xD600  }
0x28e: {  	v61 =	vshrl.u32 v5, $0x3;
	[hbm4b:s21+s5] =	stream.indirect_vreg.scatter [tilespmem:s10], [sflag:$0x3], $0x80, v6, vm0, $0xb8;
	[tilespmem:$0x1B600] =	vst v63  }
0x28f: {  	v7 =	vmul.u32 $0xC0, v61;
	s10 =	simm.s32 $0xDE00  }
0x290: {  	v5 =	vand.u32 $0x7, v5;
	[hbm4b:s22+s5] =	stream.indirect_vreg.scatter [tilespmem:s10], [sflag:$0x3], $0x80, v6, vm0, $0xb8;
	[tilespmem:$0x1B600] =	vst v63  }
0x291: {  	v5 =	vor.u32 v5, v7;
	s8 =	simm.s32 $0xE600  }
0x292: {  	v7 =	vperm.xlane v5, v1;
	[hbm4b:s23+s5] =	stream.indirect_vreg.scatter [tilespmem:s8], [sflag:$0x3], $0x80, v6, vm0, $0xb8;
	[tilespmem:$0x1B600] =	vst v63  }
0x293: {  	s24 =	simm.s32 $0x3;
	s7 =	simm.s32 $0xEE00  }
0x294: {  	v7 =	vadd.s32 v2, v7;
	[hbm4b:s25+s5] =	stream.indirect_vreg.scatter [tilespmem:s7], [sflag:$0x3], $0x80, v6, vm0, $0xb8;
	[tilespmem:$0x1B600] =	vst v63  }
0x295: {  	_ =	swait.ge [sflag:s24], $0xC000  }
0x296: {  	[sflag:s24] =	ssyncset.done $0x0  }
0x297: {  	[sflag:s24] =	ssyncadd.s32 $0xFFFF4000  }
0x298: {  	s0 =	simm.s32 $0x3600;
	s24 =	rddreg [dreg:$0x0]  }
0x299: {  	[tilespmem:s0], [sflag:$0x1] =	stream.indirect_vreg.gather [hbm4b:s24+s5], $0x80, v7, vm0, $0xb8;
	[tilespmem:$0x1B600] =	vst v63  }
0x29a: {  	s0 =	simm.s32 $0x3E00  }
0x29b: {  	[tilespmem:s0], [sflag:$0x1] =	stream.indirect_vreg.gather [hbm4b:s12+s5], $0x80, v7, vm0, $0xb8;
	[tilespmem:$0x1B600] =	vst v63  }
0x29c: {  	s0 =	simm.s32 $0x4600  }
0x29d: {  	[tilespmem:s0], [sflag:$0x1] =	stream.indirect_vreg.gather [hbm4b:s13+s5], $0x80, v7, vm0, $0xb8;
	[tilespmem:$0x1B600] =	vst v63  }
0x29e: {  	s0 =	simm.s32 $0x4E00  }
0x29f: {  	[tilespmem:s0], [sflag:$0x1] =	stream.indirect_vreg.gather [hbm4b:s26+s5], $0x80, v7, vm0, $0xb8;
	[tilespmem:$0x1B600] =	vst v63  }
0x2a0: {  	s0 =	simm.s32 $0x5600  }
0x2a1: {  	[tilespmem:s0], [sflag:$0x1] =	stream.indirect_vreg.gather [hbm4b:s28+s5], $0x80, v7, vm0, $0xb8;
	[tilespmem:$0x1B600] =	vst v63  }
0x2a2: {  	s0 =	simm.s32 $0x5E00  }
0x2a3: {  	[tilespmem:s0], [sflag:$0x1] =	stream.indirect_vreg.gather [hbm4b:s29+s5], $0x80, v7, vm0, $0xb8;
	[tilespmem:$0x1B600] =	vst v63  }
0x2a4: {  	s0 =	simm.s32 $0x6600  }
0x2a5: {  	[tilespmem:s0], [sflag:$0x1] =	stream.indirect_vreg.gather [hbm4b:s30+s5], $0x80, v7, vm0, $0xb8;
	[tilespmem:$0x1B600] =	vst v63  }
0x2a6: {  	s0 =	simm.s32 $0x6E00  }
0x2a7: {  	[tilespmem:s0], [sflag:$0x1] =	stream.indirect_vreg.gather [hbm4b:s31+s5], $0x80, v7, vm0, $0xb8;
	[tilespmem:$0x1B600] =	vst v63  }
0x2a8: {  	s0 =	simm.s32 $0x7600  }
0x2a9: {  	[tilespmem:s0], [sflag:$0x1] =	stream.indirect_vreg.gather [hbm4b:s9+s5], $0x80, v7, vm0, $0xb8;
	[tilespmem:$0x1B600] =	vst v63  }
0x2aa: {  	v5 =	vperm.xlane v5, v3;
	s0 =	simm.s32 $0x7E00  }
0x2ab: {  	[tilespmem:s0], [sflag:$0x1] =	stream.indirect_vreg.gather [hbm4b:s4+s5], $0x80, v7, vm0, $0xb8;
	[tilespmem:$0x1B600] =	vst v63  }
0x2ac: {  	v5 =	vadd.s32 v2, v5;
	s0 =	simm.s32 $0x8600  }
0x2ad: {  	[tilespmem:s0], [sflag:$0x1] =	stream.indirect_vreg.gather [hbm4b:s2+s5], $0x80, v7, vm0, $0xb8;
	[tilespmem:$0x1B600] =	vst v63  }
0x2ae: {  	s0 =	simm.s32 $0x8E00  }
0x2af: {  	[tilespmem:s0], [sflag:$0x1] =	stream.indirect_vreg.gather [hbm4b:s1+s5], $0x80, v7, vm0, $0xb8;
	[tilespmem:$0x1B600] =	vst v63  }
0x2b0: {  	s0 =	simm.s32 $0x9600  }
0x2b1: {  	[tilespmem:s0], [sflag:$0x1] =	stream.indirect_vreg.gather [hbm4b:s24+s5], $0x80, v5, vm0, $0xb8;
	[tilespmem:$0x1B600] =	vst v63  }
0x2b2: {  	s0 =	simm.s32 $0x9E00  }
0x2b3: {  	[tilespmem:s0], [sflag:$0x1] =	stream.indirect_vreg.gather [hbm4b:s12+s5], $0x80, v5, vm0, $0xb8;
	[tilespmem:$0x1B600] =	vst v63  }
0x2b4: {  	s0 =	simm.s32 $0xA600  }
0x2b5: {  	[tilespmem:s0], [sflag:$0x1] =	stream.indirect_vreg.gather [hbm4b:s13+s5], $0x80, v5, vm0, $0xb8;
	[tilespmem:$0x1B600] =	vst v63  }
0x2b6: {  	s0 =	simm.s32 $0xAE00  }
0x2b7: {  	[tilespmem:s0], [sflag:$0x1] =	stream.indirect_vreg.gather [hbm4b:s26+s5], $0x80, v5, vm0, $0xb8;
	[tilespmem:$0x1B600] =	vst v63  }
0x2b8: {  	s0 =	simm.s32 $0xB600  }
0x2b9: {  	[tilespmem:s0], [sflag:$0x1] =	stream.indirect_vreg.gather [hbm4b:s28+s5], $0x80, v5, vm0, $0xb8;
	[tilespmem:$0x1B600] =	vst v63  }
0x2ba: {  	s0 =	simm.s32 $0xBE00  }
0x2bb: {  	[tilespmem:s0], [sflag:$0x1] =	stream.indirect_vreg.gather [hbm4b:s29+s5], $0x80, v5, vm0, $0xb8;
	[tilespmem:$0x1B600] =	vst v63  }
0x2bc: {  	s0 =	simm.s32 $0xC600  }
0x2bd: {  	[tilespmem:s0], [sflag:$0x1] =	stream.indirect_vreg.gather [hbm4b:s30+s5], $0x80, v5, vm0, $0xb8;
	[tilespmem:$0x1B600] =	vst v63  }
0x2be: {  	s0 =	simm.s32 $0xCE00  }
0x2bf: {  	[tilespmem:s0], [sflag:$0x1] =	stream.indirect_vreg.gather [hbm4b:s31+s5], $0x80, v5, vm0, $0xb8;
	[tilespmem:$0x1B600] =	vst v63  }
0x2c0: {  	s0 =	simm.s32 $0xD600  }
0x2c1: {  	[tilespmem:s0], [sflag:$0x1] =	stream.indirect_vreg.gather [hbm4b:s9+s5], $0x80, v5, vm0, $0xb8;
	[tilespmem:$0x1B600] =	vst v63  }
0x2c2: {  	_ = 	snop  }
0x2c3: {  	[tilespmem:s10], [sflag:$0x1] =	stream.indirect_vreg.gather [hbm4b:s4+s5], $0x80, v5, vm0, $0xb8;
	[tilespmem:$0x1B600] =	vst v63  }
0x2c4: {  	_ = 	snop  }
0x2c5: {  	[tilespmem:s8], [sflag:$0x1] =	stream.indirect_vreg.gather [hbm4b:s2+s5], $0x80, v5, vm0, $0xb8;
	[tilespmem:$0x1B600] =	vst v63  }
0x2c6: {  	_ = 	snop  }
0x2c7: {  	[tilespmem:s7], [sflag:$0x1] =	stream.indirect_vreg.gather [hbm4b:s1+s5], $0x80, v5, vm0, $0xb8;
	[tilespmem:$0x1B600] =	vst v63  }
0x2c8: {  	s7 =	simm.s32 $0x2  }
0x2c9: {  	_ =	swait.ge [sflag:s7], $0xC000  }
0x2ca: {  	[sflag:s7] =	ssyncset.done $0x0  }
0x2cb: {  	[sflag:s7] =	ssyncadd.s32 $0xFFFF4000  }
0x2cc: {  	v5 =	vld [tilespmem:$0x3480];
	_ =	sdelay $0x4  }
0x2cd: {  	v62 =	vshrl.u32 v5, $0x3  }
0x2ce: {  	v6 =	vmul.u32 $0xC0, v62  }
0x2cf: {  	v5 =	vand.u32 $0x7, v5  }
0x2d0: {  	v5 =	vor.u32 v5, v6  }
0x2d1: {  	v6 =	vperm.xlane v5, v1;
	_ =	sdelay $0x1  }
0x2d2: {  	v6 =	vadd.s32 v2, v6;
	_ =	sdelay $0x3  }
0x2d3: {  	s8 =	simm.s32 $0xF600  }
0x2d4: {  	[hbm4b:s11+s5] =	stream.indirect_vreg.scatter [tilespmem:s8], [sflag:$0x4], $0x80, v6, vm0, $0xb8;
	[tilespmem:$0x1B600] =	vst v63  }
0x2d5: {  	s10 =	simm.s32 $0xFE00  }
0x2d6: {  	[hbm4b:s14+s5] =	stream.indirect_vreg.scatter [tilespmem:s10], [sflag:$0x4], $0x80, v6, vm0, $0xb8;
	[tilespmem:$0x1B600] =	vst v63  }
0x2d7: {  	s7 =	simm.s32 $0x10600  }
0x2d8: {  	[hbm4b:s15+s5] =	stream.indirect_vreg.scatter [tilespmem:s7], [sflag:$0x4], $0x80, v6, vm0, $0xb8;
	[tilespmem:$0x1B600] =	vst v63  }
0x2d9: {  	s8 =	simm.s32 $0x10E00  }
0x2da: {  	[hbm4b:s16+s5] =	stream.indirect_vreg.scatter [tilespmem:s8], [sflag:$0x4], $0x80, v6, vm0, $0xb8;
	[tilespmem:$0x1B600] =	vst v63  }
0x2db: {  	s10 =	simm.s32 $0x11600  }
0x2dc: {  	[hbm4b:s17+s5] =	stream.indirect_vreg.scatter [tilespmem:s10], [sflag:$0x4], $0x80, v6, vm0, $0xb8;
	[tilespmem:$0x1B600] =	vst v63  }
0x2dd: {  	s7 =	simm.s32 $0x11E00  }
0x2de: {  	[hbm4b:s18+s5] =	stream.indirect_vreg.scatter [tilespmem:s7], [sflag:$0x4], $0x80, v6, vm0, $0xb8;
	[tilespmem:$0x1B600] =	vst v63  }
0x2df: {  	s8 =	simm.s32 $0x12600  }
0x2e0: {  	[hbm4b:s19+s5] =	stream.indirect_vreg.scatter [tilespmem:s8], [sflag:$0x4], $0x80, v6, vm0, $0xb8;
	[tilespmem:$0x1B600] =	vst v63  }
0x2e1: {  	s10 =	simm.s32 $0x12E00  }
0x2e2: {  	[hbm4b:s20+s5] =	stream.indirect_vreg.scatter [tilespmem:s10], [sflag:$0x4], $0x80, v6, vm0, $0xb8;
	[tilespmem:$0x1B600] =	vst v63  }
0x2e3: {  	s7 =	simm.s32 $0x13600  }
0x2e4: {  	[hbm4b:s21+s5] =	stream.indirect_vreg.scatter [tilespmem:s7], [sflag:$0x4], $0x80, v6, vm0, $0xb8;
	[tilespmem:$0x1B600] =	vst v63  }
0x2e5: {  	v5 =	vperm.xlane v5, v3;
	s10 =	simm.s32 $0x13E00  }
0x2e6: {  	[hbm4b:s22+s5] =	stream.indirect_vreg.scatter [tilespmem:s10], [sflag:$0x4], $0x80, v6, vm0, $0xb8;
	[tilespmem:$0x1B600] =	vst v63  }
0x2e7: {  	v5 =	vadd.s32 v2, v5;
	s8 =	simm.s32 $0x14600  }
0x2e8: {  	[hbm4b:s23+s5] =	stream.indirect_vreg.scatter [tilespmem:s8], [sflag:$0x4], $0x80, v6, vm0, $0xb8;
	[tilespmem:$0x1B600] =	vst v63  }
0x2e9: {  	s7 =	simm.s32 $0x14E00  }
0x2ea: {  	[hbm4b:s25+s5] =	stream.indirect_vreg.scatter [tilespmem:s7], [sflag:$0x4], $0x80, v6, vm0, $0xb8;
	[tilespmem:$0x1B600] =	vst v63  }
0x2eb: {  	s0 =	simm.s32 $0x15600  }
0x2ec: {  	[hbm4b:s11+s5] =	stream.indirect_vreg.scatter [tilespmem:s0], [sflag:$0x4], $0x80, v5, vm0, $0xb8;
	[tilespmem:$0x1B600] =	vst v63  }
0x2ed: {  	s0 =	simm.s32 $0x15E00  }
0x2ee: {  	[hbm4b:s14+s5] =	stream.indirect_vreg.scatter [tilespmem:s0], [sflag:$0x4], $0x80, v5, vm0, $0xb8;
	[tilespmem:$0x1B600] =	vst v63  }
0x2ef: {  	s0 =	simm.s32 $0x16600  }
0x2f0: {  	[hbm4b:s15+s5] =	stream.indirect_vreg.scatter [tilespmem:s0], [sflag:$0x4], $0x80, v5, vm0, $0xb8;
	[tilespmem:$0x1B600] =	vst v63  }
0x2f1: {  	s0 =	simm.s32 $0x16E00  }
0x2f2: {  	[hbm4b:s16+s5] =	stream.indirect_vreg.scatter [tilespmem:s0], [sflag:$0x4], $0x80, v5, vm0, $0xb8;
	[tilespmem:$0x1B600] =	vst v63  }
0x2f3: {  	s0 =	simm.s32 $0x17600  }
0x2f4: {  	[hbm4b:s17+s5] =	stream.indirect_vreg.scatter [tilespmem:s0], [sflag:$0x4], $0x80, v5, vm0, $0xb8;
	[tilespmem:$0x1B600] =	vst v63  }
0x2f5: {  	s0 =	simm.s32 $0x17E00  }
0x2f6: {  	[hbm4b:s18+s5] =	stream.indirect_vreg.scatter [tilespmem:s0], [sflag:$0x4], $0x80, v5, vm0, $0xb8;
	[tilespmem:$0x1B600] =	vst v63  }
0x2f7: {  	s0 =	simm.s32 $0x18600  }
0x2f8: {  	[hbm4b:s19+s5] =	stream.indirect_vreg.scatter [tilespmem:s0], [sflag:$0x4], $0x80, v5, vm0, $0xb8;
	[tilespmem:$0x1B600] =	vst v63  }
0x2f9: {  	s0 =	simm.s32 $0x18E00  }
0x2fa: {  	[hbm4b:s20+s5] =	stream.indirect_vreg.scatter [tilespmem:s0], [sflag:$0x4], $0x80, v5, vm0, $0xb8;
	[tilespmem:$0x1B600] =	vst v63  }
0x2fb: {  	s0 =	simm.s32 $0x19600  }
0x2fc: {  	v63 =	vshrl.u32 v4, $0x3;
	[hbm4b:s21+s5] =	stream.indirect_vreg.scatter [tilespmem:s0], [sflag:$0x4], $0x80, v5, vm0, $0xb8;
	[tilespmem:$0x1B600] =	vst v63  }
0x2fd: {  	v6 =	vmul.u32 $0xC0, v63;
	s0 =	simm.s32 $0x19E00  }
0x2fe: {  	v4 =	vand.u32 $0x7, v4;
	[hbm4b:s22+s5] =	stream.indirect_vreg.scatter [tilespmem:s0], [sflag:$0x4], $0x80, v5, vm0, $0xb8;
	[tilespmem:$0x1B600] =	vst v63  }
0x2ff: {  	v4 =	vor.u32 v4, v6;
	s0 =	simm.s32 $0x1A600  }
0x300: {  	v6 =	vperm.xlane v4, v1;
	[hbm4b:s23+s5] =	stream.indirect_vreg.scatter [tilespmem:s0], [sflag:$0x4], $0x80, v5, vm0, $0xb8;
	[tilespmem:$0x1B600] =	vst v63  }
0x301: {  	s0 =	simm.s32 $0x1AE00  }
0x302: {  	v6 =	vadd.s32 v2, v6;
	[hbm4b:s25+s5] =	stream.indirect_vreg.scatter [tilespmem:s0], [sflag:$0x4], $0x80, v5, vm0, $0xb8;
	[tilespmem:$0x1B600] =	vst v63  }
0x303: {  	s0 =	simm.s32 $0x4  }
0x304: {  	_ =	swait.ge [sflag:s0], $0xC000  }
0x305: {  	[sflag:s0] =	ssyncset.done $0x0;
	s0 =	simm.s32 $0x4  }
0x306: {  	[sflag:s0] =	ssyncadd.s32 $0xFFFF4000;
	s0 =	simm.s32 $0xF600  }
0x307: {  	[tilespmem:s0], [sflag:$0x2] =	stream.indirect_vreg.gather [hbm4b:s24+s5], $0x80, v6, vm0, $0xb8;
	[tilespmem:$0x1B600] =	vst v63  }
0x308: {  	s0 =	simm.s32 $0xFE00  }
0x309: {  	[tilespmem:s0], [sflag:$0x2] =	stream.indirect_vreg.gather [hbm4b:s12+s5], $0x80, v6, vm0, $0xb8;
	[tilespmem:$0x1B600] =	vst v63  }
0x30a: {  	s0 =	simm.s32 $0x10600  }
0x30b: {  	[tilespmem:s0], [sflag:$0x2] =	stream.indirect_vreg.gather [hbm4b:s13+s5], $0x80, v6, vm0, $0xb8;
	[tilespmem:$0x1B600] =	vst v63  }
0x30c: {  	s0 =	simm.s32 $0x10E00  }
0x30d: {  	[tilespmem:s0], [sflag:$0x2] =	stream.indirect_vreg.gather [hbm4b:s26+s5], $0x80, v6, vm0, $0xb8;
	[tilespmem:$0x1B600] =	vst v63  }
0x30e: {  	s0 =	simm.s32 $0x11600  }
0x30f: {  	[tilespmem:s0], [sflag:$0x2] =	stream.indirect_vreg.gather [hbm4b:s28+s5], $0x80, v6, vm0, $0xb8;
	[tilespmem:$0x1B600] =	vst v63  }
0x310: {  	s0 =	simm.s32 $0x11E00  }
0x311: {  	[tilespmem:s0], [sflag:$0x2] =	stream.indirect_vreg.gather [hbm4b:s29+s5], $0x80, v6, vm0, $0xb8;
	[tilespmem:$0x1B600] =	vst v63  }
0x312: {  	s0 =	simm.s32 $0x12600  }
0x313: {  	[tilespmem:s0], [sflag:$0x2] =	stream.indirect_vreg.gather [hbm4b:s30+s5], $0x80, v6, vm0, $0xb8;
	[tilespmem:$0x1B600] =	vst v63  }
0x314: {  	s0 =	simm.s32 $0x12E00  }
0x315: {  	[tilespmem:s0], [sflag:$0x2] =	stream.indirect_vreg.gather [hbm4b:s31+s5], $0x80, v6, vm0, $0xb8;
	[tilespmem:$0x1B600] =	vst v63  }
0x316: {  	s0 =	simm.s32 $0x13600  }
0x317: {  	[tilespmem:s0], [sflag:$0x2] =	stream.indirect_vreg.gather [hbm4b:s9+s5], $0x80, v6, vm0, $0xb8;
	[tilespmem:$0x1B600] =	vst v63  }
0x318: {  	v4 =	vperm.xlane v4, v3  }
0x319: {  	[tilespmem:s10], [sflag:$0x2] =	stream.indirect_vreg.gather [hbm4b:s4+s5], $0x80, v6, vm0, $0xb8;
	[tilespmem:$0x1B600] =	vst v63  }
0x31a: {  	v4 =	vadd.s32 v2, v4  }
0x31b: {  	[tilespmem:s8], [sflag:$0x2] =	stream.indirect_vreg.gather [hbm4b:s2+s5], $0x80, v6, vm0, $0xb8;
	[tilespmem:$0x1B600] =	vst v63  }
0x31c: {  	_ = 	snop  }
0x31d: {  	[tilespmem:s7], [sflag:$0x2] =	stream.indirect_vreg.gather [hbm4b:s1+s5], $0x80, v6, vm0, $0xb8;
	[tilespmem:$0x1B600] =	vst v63  }
0x31e: {  	s8 =	simm.s32 $0x15600  }
0x31f: {  	[tilespmem:s8], [sflag:$0x2] =	stream.indirect_vreg.gather [hbm4b:s24+s5], $0x80, v4, vm0, $0xb8;
	[tilespmem:$0x1B600] =	vst v63  }
0x320: {  	s10 =	simm.s32 $0x15E00  }
0x321: {  	[tilespmem:s10], [sflag:$0x2] =	stream.indirect_vreg.gather [hbm4b:s12+s5], $0x80, v4, vm0, $0xb8;
	[tilespmem:$0x1B600] =	vst v63  }
0x322: {  	s7 =	simm.s32 $0x16600  }
0x323: {  	[tilespmem:s7], [sflag:$0x2] =	stream.indirect_vreg.gather [hbm4b:s13+s5], $0x80, v4, vm0, $0xb8;
	[tilespmem:$0x1B600] =	vst v63  }
0x324: {  	s8 =	simm.s32 $0x16E00  }
0x325: {  	[tilespmem:s8], [sflag:$0x2] =	stream.indirect_vreg.gather [hbm4b:s26+s5], $0x80, v4, vm0, $0xb8;
	[tilespmem:$0x1B600] =	vst v63  }
0x326: {  	s10 =	simm.s32 $0x17600  }
0x327: {  	[tilespmem:s10], [sflag:$0x2] =	stream.indirect_vreg.gather [hbm4b:s28+s5], $0x80, v4, vm0, $0xb8;
	[tilespmem:$0x1B600] =	vst v63  }
0x328: {  	s26 =	simm.s32 $0x17E00  }
0x329: {  	[tilespmem:s26], [sflag:$0x2] =	stream.indirect_vreg.gather [hbm4b:s29+s5], $0x80, v4, vm0, $0xb8;
	[tilespmem:$0x1B600] =	vst v63  }
0x32a: {  	s29 =	simm.s32 $0x18600  }
0x32b: {  	[tilespmem:s29], [sflag:$0x2] =	stream.indirect_vreg.gather [hbm4b:s30+s5], $0x80, v4, vm0, $0xb8;
	[tilespmem:$0x1B600] =	vst v63  }
0x32c: {  	s30 =	simm.s32 $0x18E00  }
0x32d: {  	[tilespmem:s30], [sflag:$0x2] =	stream.indirect_vreg.gather [hbm4b:s31+s5], $0x80, v4, vm0, $0xb8;
	[tilespmem:$0x1B600] =	vst v63  }
0x32e: {  	s31 =	simm.s32 $0x19600  }
0x32f: {  	[tilespmem:s31], [sflag:$0x2] =	stream.indirect_vreg.gather [hbm4b:s9+s5], $0x80, v4, vm0, $0xb8;
	[tilespmem:$0x1B600] =	vst v63  }
0x330: {  	s0 =	simm.s32 $0x19E00  }
0x331: {  	[tilespmem:s0], [sflag:$0x2] =	stream.indirect_vreg.gather [hbm4b:s4+s5], $0x80, v4, vm0, $0xb8;
	[tilespmem:$0x1B600] =	vst v63  }
0x332: {  	s30 =	simm.s32 $0x1A600  }
0x333: {  	[tilespmem:s30], [sflag:$0x2] =	stream.indirect_vreg.gather [hbm4b:s2+s5], $0x80, v4, vm0, $0xb8;
	[tilespmem:$0x1B600] =	vst v63  }
0x334: {  	s7 =	simm.s32 $0x1;
	s31 =	simm.s32 $0x1AE00  }
0x335: {  	[tilespmem:s31], [sflag:$0x2] =	stream.indirect_vreg.gather [hbm4b:s1+s5], $0x80, v4, vm0, $0xb8;
	[tilespmem:$0x1B600] =	vst v63  }
0x336: {  	_ =	swait.ge [sflag:s7], $0xC000  }
0x337: {  	s30 =	simm.s32 $0x1;
	[sflag:s7] =	ssyncset.done $0x0  }
0x338: {  	[sflag:s30] =	ssyncadd.s32 $0xFFFF4000  }
0x339: {  	v4 =	vld [tilespmem:$0x3500];
	_ =	sdelay $0x4  }
0x33a: {  	v5 =	vshrl.u32 v4, $0x3  }
0x33b: {  	v5 =	vmul.u32 $0xC0, v5  }
0x33c: {  	v4 =	vand.u32 $0x7, v4  }
0x33d: {  	v4 =	vor.u32 v4, v5  }
0x33e: {  	v5 =	vperm.xlane v4, v1;
	_ =	sdelay $0x1  }
0x33f: {  	v5 =	vadd.s32 v2, v5;
	_ =	sdelay $0x3  }
0x340: {  	s31 =	simm.s32 $0x3600  }
0x341: {  	[hbm4b:s11+s5] =	stream.indirect_vreg.scatter [tilespmem:s31], [sflag:$0x3], $0x80, v5, vm0, $0xb8;
	[tilespmem:$0x1B600] =	vst v63  }
0x342: {  	s7 =	simm.s32 $0x3E00  }
0x343: {  	[hbm4b:s14+s5] =	stream.indirect_vreg.scatter [tilespmem:s7], [sflag:$0x3], $0x80, v5, vm0, $0xb8;
	[tilespmem:$0x1B600] =	vst v63  }
0x344: {  	s30 =	simm.s32 $0x4600  }
0x345: {  	[hbm4b:s15+s5] =	stream.indirect_vreg.scatter [tilespmem:s30], [sflag:$0x3], $0x80, v5, vm0, $0xb8;
	[tilespmem:$0x1B600] =	vst v63  }
0x346: {  	s31 =	simm.s32 $0x4E00  }
0x347: {  	[hbm4b:s16+s5] =	stream.indirect_vreg.scatter [tilespmem:s31], [sflag:$0x3], $0x80, v5, vm0, $0xb8;
	[tilespmem:$0x1B600] =	vst v63  }
0x348: {  	s7 =	simm.s32 $0x5600  }
0x349: {  	[hbm4b:s17+s5] =	stream.indirect_vreg.scatter [tilespmem:s7], [sflag:$0x3], $0x80, v5, vm0, $0xb8;
	[tilespmem:$0x1B600] =	vst v63  }
0x34a: {  	s30 =	simm.s32 $0x5E00  }
0x34b: {  	[hbm4b:s18+s5] =	stream.indirect_vreg.scatter [tilespmem:s30], [sflag:$0x3], $0x80, v5, vm0, $0xb8;
	[tilespmem:$0x1B600] =	vst v63  }
0x34c: {  	s31 =	simm.s32 $0x6600  }
0x34d: {  	[hbm4b:s19+s5] =	stream.indirect_vreg.scatter [tilespmem:s31], [sflag:$0x3], $0x80, v5, vm0, $0xb8;
	[tilespmem:$0x1B600] =	vst v63  }
0x34e: {  	s7 =	simm.s32 $0x6E00  }
0x34f: {  	[hbm4b:s20+s5] =	stream.indirect_vreg.scatter [tilespmem:s7], [sflag:$0x3], $0x80, v5, vm0, $0xb8;
	[tilespmem:$0x1B600] =	vst v63  }
0x350: {  	s30 =	simm.s32 $0x7600  }
0x351: {  	[hbm4b:s21+s5] =	stream.indirect_vreg.scatter [tilespmem:s30], [sflag:$0x3], $0x80, v5, vm0, $0xb8;
	[tilespmem:$0x1B600] =	vst v63  }
0x352: {  	v4 =	vperm.xlane v4, v3;
	s31 =	simm.s32 $0x7E00  }
0x353: {  	[hbm4b:s22+s5] =	stream.indirect_vreg.scatter [tilespmem:s31], [sflag:$0x3], $0x80, v5, vm0, $0xb8;
	[tilespmem:$0x1B600] =	vst v63  }
0x354: {  	v4 =	vadd.s32 v2, v4;
	s7 =	simm.s32 $0x8600  }
0x355: {  	[hbm4b:s23+s5] =	stream.indirect_vreg.scatter [tilespmem:s7], [sflag:$0x3], $0x80, v5, vm0, $0xb8;
	[tilespmem:$0x1B600] =	vst v63  }
0x356: {  	s30 =	simm.s32 $0x8E00  }
0x357: {  	[hbm4b:s25+s5] =	stream.indirect_vreg.scatter [tilespmem:s30], [sflag:$0x3], $0x80, v5, vm0, $0xb8;
	[tilespmem:$0x1B600] =	vst v63  }
0x358: {  	s31 =	simm.s32 $0x9600  }
0x359: {  	[hbm4b:s11+s5] =	stream.indirect_vreg.scatter [tilespmem:s31], [sflag:$0x3], $0x80, v4, vm0, $0xb8;
	[tilespmem:$0x1B600] =	vst v63  }
0x35a: {  	s7 =	simm.s32 $0x9E00  }
0x35b: {  	[hbm4b:s14+s5] =	stream.indirect_vreg.scatter [tilespmem:s7], [sflag:$0x3], $0x80, v4, vm0, $0xb8;
	[tilespmem:$0x1B600] =	vst v63  }
0x35c: {  	s30 =	simm.s32 $0xA600  }
0x35d: {  	[hbm4b:s15+s5] =	stream.indirect_vreg.scatter [tilespmem:s30], [sflag:$0x3], $0x80, v4, vm0, $0xb8;
	[tilespmem:$0x1B600] =	vst v63  }
0x35e: {  	s31 =	simm.s32 $0xAE00  }
0x35f: {  	[hbm4b:s16+s5] =	stream.indirect_vreg.scatter [tilespmem:s31], [sflag:$0x3], $0x80, v4, vm0, $0xb8;
	[tilespmem:$0x1B600] =	vst v63  }
0x360: {  	s7 =	simm.s32 $0xB600  }
0x361: {  	[hbm4b:s17+s5] =	stream.indirect_vreg.scatter [tilespmem:s7], [sflag:$0x3], $0x80, v4, vm0, $0xb8;
	[tilespmem:$0x1B600] =	vst v63  }
0x362: {  	s30 =	simm.s32 $0xBE00  }
0x363: {  	[hbm4b:s18+s5] =	stream.indirect_vreg.scatter [tilespmem:s30], [sflag:$0x3], $0x80, v4, vm0, $0xb8;
	[tilespmem:$0x1B600] =	vst v63  }
0x364: {  	s31 =	simm.s32 $0xC600  }
0x365: {  	[hbm4b:s19+s5] =	stream.indirect_vreg.scatter [tilespmem:s31], [sflag:$0x3], $0x80, v4, vm0, $0xb8;
	[tilespmem:$0x1B600] =	vst v63  }
0x366: {  	s7 =	simm.s32 $0xCE00  }
0x367: {  	[hbm4b:s20+s5] =	stream.indirect_vreg.scatter [tilespmem:s7], [sflag:$0x3], $0x80, v4, vm0, $0xb8;
	[tilespmem:$0x1B600] =	vst v63  }
0x368: {  	s30 =	simm.s32 $0xD600  }
0x369: {  	[hbm4b:s21+s5] =	stream.indirect_vreg.scatter [tilespmem:s30], [sflag:$0x3], $0x80, v4, vm0, $0xb8;
	[tilespmem:$0x1B600] =	vst v63  }
0x36a: {  	s31 =	simm.s32 $0xDE00  }
0x36b: {  	[hbm4b:s22+s5] =	stream.indirect_vreg.scatter [tilespmem:s31], [sflag:$0x3], $0x80, v4, vm0, $0xb8;
	[tilespmem:$0x1B600] =	vst v63  }
0x36c: {  	s7 =	simm.s32 $0xE600  }
0x36d: {  	[hbm4b:s23+s5] =	stream.indirect_vreg.scatter [tilespmem:s7], [sflag:$0x3], $0x80, v4, vm0, $0xb8;
	[tilespmem:$0x1B600] =	vst v63  }
0x36e: {  	s30 =	simm.s32 $0xEE00;
	s31 =	simm.s32 $0x3  }
0x36f: {  	[hbm4b:s25+s5] =	stream.indirect_vreg.scatter [tilespmem:s30], [sflag:$0x3], $0x80, v4, vm0, $0xb8;
	[tilespmem:$0x1B600] =	vst v63  }
0x370: {  	_ =	swait.ge [sflag:s31], $0xC000  }
0x371: {  	s7 =	simm.s32 $0x3;
	[sflag:s31] =	ssyncset.done $0x0  }
0x372: {  	s30 =	simm.s32 $0x2;
	[sflag:s7] =	ssyncadd.s32 $0xFFFF4000  }
0x373: {  	_ =	swait.ge [sflag:s30], $0xC000  }
0x374: {  	s31 =	simm.s32 $0x2;
	[sflag:s30] =	ssyncset.done $0x0  }
0x375: {  	[sflag:s31] =	ssyncadd.s32 $0xFFFF4000  }
0x376: {  	v4 =	vld [tilespmem:$0x3580];
	_ =	sdelay $0x4  }
0x377: {  	v5 =	vshrl.u32 v4, $0x3  }
0x378: {  	v5 =	vmul.u32 $0xC0, v5  }
0x379: {  	v4 =	vand.u32 $0x7, v4  }
0x37a: {  	v4 =	vor.u32 v4, v5  }
0x37b: {  	v5 =	vperm.xlane v4, v1;
	_ =	sdelay $0x1  }
0x37c: {  	v5 =	vadd.s32 v2, v5;
	_ =	sdelay $0x3  }
0x37d: {  	s7 =	simm.s32 $0xF600  }
0x37e: {  	[hbm4b:s11+s5] =	stream.indirect_vreg.scatter [tilespmem:s7], [sflag:$0x4], $0x80, v5, vm0, $0xb8;
	[tilespmem:$0x1B600] =	vst v63  }
0x37f: {  	s30 =	simm.s32 $0xFE00  }
0x380: {  	[hbm4b:s14+s5] =	stream.indirect_vreg.scatter [tilespmem:s30], [sflag:$0x4], $0x80, v5, vm0, $0xb8;
	[tilespmem:$0x1B600] =	vst v63  }
0x381: {  	s31 =	simm.s32 $0x10600  }
0x382: {  	[hbm4b:s15+s5] =	stream.indirect_vreg.scatter [tilespmem:s31], [sflag:$0x4], $0x80, v5, vm0, $0xb8;
	[tilespmem:$0x1B600] =	vst v63  }
0x383: {  	s7 =	simm.s32 $0x10E00  }
0x384: {  	[hbm4b:s16+s5] =	stream.indirect_vreg.scatter [tilespmem:s7], [sflag:$0x4], $0x80, v5, vm0, $0xb8;
	[tilespmem:$0x1B600] =	vst v63  }
0x385: {  	s30 =	simm.s32 $0x11600  }
0x386: {  	[hbm4b:s17+s5] =	stream.indirect_vreg.scatter [tilespmem:s30], [sflag:$0x4], $0x80, v5, vm0, $0xb8;
	[tilespmem:$0x1B600] =	vst v63  }
0x387: {  	s31 =	simm.s32 $0x11E00  }
0x388: {  	[hbm4b:s18+s5] =	stream.indirect_vreg.scatter [tilespmem:s31], [sflag:$0x4], $0x80, v5, vm0, $0xb8;
	[tilespmem:$0x1B600] =	vst v63  }
0x389: {  	s7 =	simm.s32 $0x12600  }
0x38a: {  	[hbm4b:s19+s5] =	stream.indirect_vreg.scatter [tilespmem:s7], [sflag:$0x4], $0x80, v5, vm0, $0xb8;
	[tilespmem:$0x1B600] =	vst v63  }
0x38b: {  	s30 =	simm.s32 $0x12E00  }
0x38c: {  	[hbm4b:s20+s5] =	stream.indirect_vreg.scatter [tilespmem:s30], [sflag:$0x4], $0x80, v5, vm0, $0xb8;
	[tilespmem:$0x1B600] =	vst v63  }
0x38d: {  	s31 =	simm.s32 $0x13600  }
0x38e: {  	[hbm4b:s21+s5] =	stream.indirect_vreg.scatter [tilespmem:s31], [sflag:$0x4], $0x80, v5, vm0, $0xb8;
	[tilespmem:$0x1B600] =	vst v63  }
0x38f: {  	v4 =	vperm.xlane v4, v3;
	s7 =	simm.s32 $0x13E00  }
0x390: {  	[hbm4b:s22+s5] =	stream.indirect_vreg.scatter [tilespmem:s7], [sflag:$0x4], $0x80, v5, vm0, $0xb8;
	[tilespmem:$0x1B600] =	vst v63  }
0x391: {  	v4 =	vadd.s32 v2, v4;
	s30 =	simm.s32 $0x14600  }
0x392: {  	[hbm4b:s23+s5] =	stream.indirect_vreg.scatter [tilespmem:s30], [sflag:$0x4], $0x80, v5, vm0, $0xb8;
	[tilespmem:$0x1B600] =	vst v63  }
0x393: {  	s31 =	simm.s32 $0x14E00  }
0x394: {  	[hbm4b:s25+s5] =	stream.indirect_vreg.scatter [tilespmem:s31], [sflag:$0x4], $0x80, v5, vm0, $0xb8;
	[tilespmem:$0x1B600] =	vst v63  }
0x395: {  	s24 =	simm.s32 $0x15600  }
0x396: {  	[hbm4b:s11+s5] =	stream.indirect_vreg.scatter [tilespmem:s24], [sflag:$0x4], $0x80, v4, vm0, $0xb8;
	[tilespmem:$0x1B600] =	vst v63  }
0x397: {  	s12 =	simm.s32 $0x15E00  }
0x398: {  	[hbm4b:s14+s5] =	stream.indirect_vreg.scatter [tilespmem:s12], [sflag:$0x4], $0x80, v4, vm0, $0xb8;
	[tilespmem:$0x1B600] =	vst v63  }
0x399: {  	s13 =	simm.s32 $0x16600  }
0x39a: {  	[hbm4b:s15+s5] =	stream.indirect_vreg.scatter [tilespmem:s13], [sflag:$0x4], $0x80, v4, vm0, $0xb8;
	[tilespmem:$0x1B600] =	vst v63  }
0x39b: {  	s8 =	simm.s32 $0x16E00  }
0x39c: {  	[hbm4b:s16+s5] =	stream.indirect_vreg.scatter [tilespmem:s8], [sflag:$0x4], $0x80, v4, vm0, $0xb8;
	[tilespmem:$0x1B600] =	vst v63  }
0x39d: {  	s28 =	simm.s32 $0x17600  }
0x39e: {  	[hbm4b:s17+s5] =	stream.indirect_vreg.scatter [tilespmem:s28], [sflag:$0x4], $0x80, v4, vm0, $0xb8;
	[tilespmem:$0x1B600] =	vst v63  }
0x39f: {  	s26 =	simm.s32 $0x17E00  }
0x3a0: {  	[hbm4b:s18+s5] =	stream.indirect_vreg.scatter [tilespmem:s26], [sflag:$0x4], $0x80, v4, vm0, $0xb8;
	[tilespmem:$0x1B600] =	vst v63  }
0x3a1: {  	s29 =	simm.s32 $0x18600  }
0x3a2: {  	[hbm4b:s19+s5] =	stream.indirect_vreg.scatter [tilespmem:s29], [sflag:$0x4], $0x80, v4, vm0, $0xb8;
	[tilespmem:$0x1B600] =	vst v63  }
0x3a3: {  	s10 =	simm.s32 $0x18E00  }
0x3a4: {  	[hbm4b:s20+s5] =	stream.indirect_vreg.scatter [tilespmem:s10], [sflag:$0x4], $0x80, v4, vm0, $0xb8;
	[tilespmem:$0x1B600] =	vst v63  }
0x3a5: {  	s9 =	simm.s32 $0x19600  }
0x3a6: {  	[hbm4b:s21+s5] =	stream.indirect_vreg.scatter [tilespmem:s9], [sflag:$0x4], $0x80, v4, vm0, $0xb8;
	[tilespmem:$0x1B600] =	vst v63  }
0x3a7: {  	s4 =	simm.s32 $0x19E00  }
0x3a8: {  	[hbm4b:s22+s5] =	stream.indirect_vreg.scatter [tilespmem:s4], [sflag:$0x4], $0x80, v4, vm0, $0xb8;
	[tilespmem:$0x1B600] =	vst v63  }
0x3a9: {  	s2 =	simm.s32 $0x1A600  }
0x3aa: {  	[hbm4b:s23+s5] =	stream.indirect_vreg.scatter [tilespmem:s2], [sflag:$0x4], $0x80, v4, vm0, $0xb8;
	[tilespmem:$0x1B600] =	vst v63  }
0x3ab: {  	s1 =	simm.s32 $0x1AE00  }
0x3ac: {  	[hbm4b:s25+s5] =	stream.indirect_vreg.scatter [tilespmem:s1], [sflag:$0x4], $0x80, v4, vm0, $0xb8;
	[tilespmem:$0x1B600] =	vst v63  }
0x3ad: {  	s9 =	simm.s32 $0x40;
	s1 =	simm.s32 $0x0  }
.LBB2_2:
0x3ae: {  	p0 =	sne.s32 s9, $0x3FC0;
	v4 =	vld [tilespmem:s1+$0x1000]  }
0x3af: {  	v5 =	vld [tilespmem:s1+$0x0];
	_ =	sdelay $0x4  }
0x3b0: {  	v5 =	vsub.s32 v5, v0  }
0x3b1: {  	vm1 =	vgt.s32 v5, $0x0  }
0x3b2: {  	vm2 =	vlt.u32 v5, $0x200;
	v4 =	vld.idx.msk [tilespmem:v4+s3+$0x0], $0xffff;
	v5 =	vnsel vm1, $0x0, v5  }
0x3b3: {  	v5 =	vmin.u32 v5, $0x1FF  }
.Ltmp0:
0x3b4: {  	(pc) =	sbr.rel @p0 .LBB2_2-.Ltmp0, $2  }
0x3b5: {  	_ =	sdelay $0x2  }
0x3b6: {  	s1 =	sshra.s32 s9, $0x2;
	s9 =	sadd.s32 $0x40, s9;
	[tilespmem:v5+s6+$0x0] =	vst.idx.msk vm2, v4  }
0x3b7: {  	v4 =	vld [tilespmem:s1+$0x1000]  }
0x3b8: {  	v5 =	vld [tilespmem:s1+$0x0];
	_ =	sdelay $0x4  }
0x3b9: {  	v5 =	vsub.s32 v5, v0  }
0x3ba: {  	vm1 =	vgt.s32 v5, $0x0  }
0x3bb: {  	vm2 =	vlt.u32 v5, $0x200;
	v5 =	vnsel vm1, $0x0, v5  }
0x3bc: {  	v4 =	vld.idx.msk [tilespmem:v4+s3+$0x0], $0xffff;
	v5 =	vmin.u32 v5, $0x1FF;
	_ =	sdelay $0x4  }
0x3bd: {  	s9 =	rddreg [dreg:$0x7];
	s28 =	simm.s32 $0x5;
	[tilespmem:v5+s6+$0x0] =	vst.idx.msk vm2, v4  }
0x3be: {  	[hbm4b:s9+s5] =	stream.linear.scatter [tilespmem:s6], [sflag:$0x5], $0x200, $0x38;
	[tilespmem:$0x1B600] =	vst v63  }
0x3bf: {  	_ =	swait.ge [sflag:s28], $0x200  }
0x3c0: {  	[sflag:s28] =	ssyncset.done $0x0  }
0x3c1: {  	s29 =	simm.s32 $0x4;
	[sflag:s28] =	ssyncadd.s32 $0xFFFFFE00  }
0x3c2: {  	_ =	swait.ge [sflag:s29], $0xC000  }
0x3c3: {  	s10 =	rddreg [dreg:$0xb]  }
0x3c4: {  	s30 =	rddreg [dreg:$0x9];
	s10 =	sadd.s32 $0x1, s10  }
0x3c5: {  	p0 =	sne.s32 s10, s30  }
.Ltmp1:
0x3c6: {  	_ = 	snop;
	(pc) =	sbr.rel @p0 .LBB2_1-.Ltmp1, $3  }
0x3c7: {  	_ =	sdelay $0x1  }
0x3c8: {  	s31 =	simm.s32 $0x4;
	[sflag:s29] =	ssyncset.done $0x0  }
0x3c9: {  	[sflag:s31] =	ssyncadd.s32 $0xFFFF4000  }
0x3ca: {  	_ =	sfence.sel $0x180000  }
0x3cb: {  	[bflag:$0x0] =	sbarrier.arrive $0xFFFF  }
0x3cc: {  	_ =	strace $0x90000047  }
0x3cd: {  	s0 =	stileid.u32;
	[bflag:$0x2] =	sbarrier.arrive $0xFFFF  }
0x3ce: {  	p0 =	sne.s32 s0, $0x0;
	s0 =	rddreg [dreg:$0x5]  }
0x3cf: {  	s0 =	sadd.s32 @!p0 $0x100000, s0  }
0x3d0: {  	[sflag:s0] =	ssyncadd.tile.s32 @!p0 $0x1;
	_ =	shalt  }
.Lfunc_end2:
_tile_overlayer_lowered:
.L_overlay_start_2:
0x3d1: {  	(tag) =	ssettag $0x2  }
0x3d2: {  	s0 =	rddreg [dreg:$0x0];
	s2 =	stileid.u32  }
0x3d3: {  	s1 =	rddreg [dreg:$0x1];
	p0 =	sne.s32 s2, $0x0  }
0x3d4: {  	s3 =	rddreg [dreg:$0x2];
	[bflag:$0x3] =	sbarrier.arrive $0xFFFF;
	s2 =	simm.s32 @!p0 $0x1C05  }
0x3d5: {  	[timem:s3], [sflag:s2] =	dma.local @!p0 [hbm:s0], s1  }
0x3d6: {  	s0 =	simm.s32 @!p0 $0x5  }
0x3d7: {  	_ =	swait.ge @!p0 [sflag:s0], s1  }
0x3d8: {  	s1 =	ssub.s32 @!p0 $0x0, s1;
	[sflag:s0] =	ssyncset.done @!p0 $0x0  }
0x3d9: {  	[sflag:s0] =	ssyncadd.s32 @!p0 s1  }
0x3da: {  	[bflag:$0x3] =	sbarrier.arrive $0xFFFF  }
0x3db: {  	_ =	shalt  }

</sc_bundles>
